<compile_context>
chip_gen: v7x
topology: tpu7x:2x2x1
jax: 0.10.2.dev20260603
libtpu: 0.0.44.dev20260713+nightly
codegen_flags: <defaults>
</compile_context>

<pallas_src>
import functools

import jax
import jax.numpy as jnp
from jax import lax
from jax.experimental import pallas as pl
from jax.experimental.pallas import tpu as pltpu
from jax.experimental.pallas import tpu_sc as plsc

NUM_EMBEDDINGS = 100000
EMBED_DIM = 64
B_ROWS = 4096
B_COLS = 100

_info = plsc.get_sparse_core_info()
NC, NS = _info.num_cores, _info.num_subcores
NW = NC * NS

NBUF = 8
ROWS_W = B_ROWS // NW
N_GROUPS = ROWS_W // NBUF

_mesh = plsc.VectorSubcoreMesh(core_axis_name="c", subcore_axis_name="s")


@functools.partial(
    pl.kernel,
    mesh=_mesh,
    out_type=jax.ShapeDtypeStruct((B_ROWS, B_COLS, 2 * EMBED_DIM), jnp.float32),
    scratch_types=[
        pltpu.VMEM((ROWS_W * 128,), jnp.int32),
        pltpu.VMEM((NBUF, B_COLS, 2 * EMBED_DIM), jnp.float32),
        pltpu.SemaphoreType.DMA((NBUF,)),
        pltpu.SemaphoreType.DMA((NBUF,)),
    ],
    compiler_params=pltpu.CompilerParams(use_tc_tiling_on_sc=True),
)
def _sc_gather(idx_hbm, table_hbm, out_hbm, idx_v, rows_v, sem_g, sem_o):
    wid = lax.axis_index("s") * NC + lax.axis_index("c")
    base = wid * ROWS_W

    pltpu.sync_copy(idx_hbm.at[pl.ds(base * 128, ROWS_W * 128)], idx_v)

    def body(g, carry):
        grow = g * NBUF
        for b in range(NBUF):

            @pl.when(g > 0)
            def _wait_out():
                pltpu.make_async_copy(
                    rows_v.at[b], out_hbm.at[base], sem_o.at[b]
                ).wait()

            pltpu.make_async_copy(
                table_hbm.at[idx_v.at[pl.ds((grow + b) * 128, B_COLS)]],
                rows_v.at[b],
                sem_g.at[b],
            ).start()
        for b in range(NBUF):
            pltpu.make_async_copy(
                table_hbm.at[idx_v.at[pl.ds((grow + b) * 128, B_COLS)]],
                rows_v.at[b],
                sem_g.at[b],
            ).wait()
            pltpu.make_async_copy(
                rows_v.at[b], out_hbm.at[base + grow + b], sem_o.at[b]
            ).start()
        return carry

    lax.fori_loop(0, N_GROUPS, body, 0)

    for b in range(NBUF):
        pltpu.make_async_copy(
            rows_v.at[b], out_hbm.at[base], sem_o.at[b]
        ).wait()


def kernel(emb, table):
    emb_p = jnp.pad(emb, ((0, 0), (0, 128 - B_COLS))).reshape(-1)
    table_p = jnp.pad(table, ((0, 0), (0, EMBED_DIM)))
    rows3 = _sc_gather(emb_p, table_p)
    return rows3[:, :, :EMBED_DIM]

# --- scband reference (transcript-rebuilt; emitter-appended) ---
"""Pipeline reference for scband-variable-embedder-37185826849215 (READ-ONLY COPY).

The authoritative reference and input builder live on the scoring server;
editing this copy changes nothing except your own understanding.
"""

import jax, jax.numpy as jnp
import numpy as np

NUM_EMBEDDINGS = 100000
EMBED_DIM = 64

def setup_inputs(seed: int = 0) -> dict:
    key = jax.random.key(seed)
    k_idx, k_tab = jax.random.split(key)
    emb = jax.random.randint(k_idx, (4096, 100), 0, NUM_EMBEDDINGS, dtype=jnp.int64 if jax.config.jax_enable_x64 else jnp.int32)
    table = jax.random.normal(k_tab, (NUM_EMBEDDINGS, EMBED_DIM), dtype=jnp.float32)
    return {"emb": emb, "table": table}

def reference(emb, table):
    # VariableEmbedder.forward: self.embedding_fn(emb) == nn.Embedding lookup
    return jnp.take(table, emb, axis=0)

if __name__ == "__main__":
    import jax
    _d = setup_inputs()
    print(jax.jit(kernel)(*tuple(_d.values())))

</pallas_src>

<mosaic_0001>
#map = affine_map<(d0, d1) -> (0)>
#map1 = affine_map<(d0, d1) -> (0, 0)>
#map2 = affine_map<(d0, d1) -> (0, 0, 0)>
module attributes {stable_mosaic.version = 14 : i64} {
  func.func @_sc_gather(%arg0: i32, %arg1: i32, %arg2: memref<524288xi32, #tpu.memory_space<hbm>>, %arg3: memref<100000x128xf32, #tpu.memory_space<hbm>>, %arg4: memref<4096x100x128xf32, #tpu.memory_space<hbm>>, %arg5: memref<16384xi32, #tpu.memory_space<vmem>>, %arg6: memref<8x100x128xf32, #tpu.memory_space<vmem>>, %arg7: memref<8x!tpu.dma_semaphore, #tpu.memory_space<semaphore_mem>>, %arg8: memref<8x!tpu.dma_semaphore, #tpu.memory_space<semaphore_mem>>) attributes {dimension_semantics = [#tpu.dimension_semantics<core_parallel>, #tpu.dimension_semantics<subcore_parallel>], iteration_bounds = array<i64: 2, 16>, scalar_prefetch = 0 : i64, scratch_operands = 4 : i64, tpu.core_type = #tpu.core_type<sc_vector_subcore>, window_params = [{transform_indices = #map}, {transform_indices = #map1}, {transform_indices = #map2}]} {
    %mul3A = arith.constant 2 : i32
    %mul3A_0 = arith.muli %arg1, %mul3A : i32
    %add3A = arith.addi %mul3A_0, %arg0 : i32
    %mul3A_1 = arith.constant 128 : i32
    %mul3A_2 = arith.muli %add3A, %mul3A_1 : i32
    %mul3A_3 = arith.constant 128 : i32
    %mul3A_4 = arith.muli %mul3A_2, %mul3A_3 : i32
    "tpu.region"() ({
      %run_scoped3A = tpu.sem_alloc : memref<!tpu.dma_semaphore, #tpu.memory_space<semaphore_mem>>
      %dma_start3A = tpu.memref_slice %arg2[%mul3A_4] : memref<524288xi32, #tpu.memory_space<hbm>> -> memref<16384xi32, #tpu.memory_space<hbm>>
      %dma_start3A_169 = tpu.memref_slice %arg2[%mul3A_4] : memref<524288xi32, #tpu.memory_space<hbm>> -> memref<16384xi32, #tpu.memory_space<hbm>>
      tpu.enqueue_dma source(%dma_start3A_169 : memref<16384xi32, #tpu.memory_space<hbm>>) target(%arg5 : memref<16384xi32, #tpu.memory_space<vmem>>) target_semaphore(%run_scoped3A : memref<!tpu.dma_semaphore, #tpu.memory_space<semaphore_mem>>)
      %dma_wait3A_170 = tpu.memref_slice %arg2[%mul3A_4] : memref<524288xi32, #tpu.memory_space<hbm>> -> memref<16384xi32, #tpu.memory_space<hbm>>
      %dma_wait3A_171 = tpu.memref_slice %arg2[%mul3A_4] : memref<524288xi32, #tpu.memory_space<hbm>> -> memref<16384xi32, #tpu.memory_space<hbm>>
      tpu.wait_dma2 semaphore(%run_scoped3A : memref<!tpu.dma_semaphore, #tpu.memory_space<semaphore_mem>>) src(%dma_wait3A_171 : memref<16384xi32, #tpu.memory_space<hbm>>) dst(%arg5 : memref<16384xi32, #tpu.memory_space<vmem>>)
      tpu.yield
    }) : () -> ()
    %scan3A = arith.constant 0 : i32
    %scan3A_5 = arith.constant 0 : i32
    %scan3A_6 = arith.constant 16 : i32
    %scan3A_7 = arith.addi %scan3A_5, %scan3A_6 : i32
    %scan3A_8 = arith.constant 1 : i32
    scf.for %scan3A_169 = %scan3A_5 to %scan3A_7 step %scan3A_8  : i32 {
      %mul3A_170 = arith.constant 8 : i32
      %mul3A_171 = arith.muli %scan3A_169, %mul3A_170 : i32
      %gt3A = arith.constant 0 : i32
      %gt3A_172 = arith.cmpi sgt, %scan3A_169, %gt3A : i32
      %convert_element_type3A = arith.extui %gt3A_172 : i1 to i32
      %cond3A = arith.constant 0 : i32
      %cond3A_173 = arith.cmpi ne, %convert_element_type3A, %cond3A : i32
      scf.if %cond3A_173 {
        %dma_wait3A_648 = arith.constant 0 : i32
        %dma_wait3A_649 = arith.constant 0 : i32
        %dma_wait3A_650 = arith.constant 0 : i32
        %dma_wait3A_651 = arith.constant 0 : i32
        %dma_wait3A_652 = tpu.memref_slice %arg6[%dma_wait3A_648, %dma_wait3A_650, %dma_wait3A_651] : memref<8x100x128xf32, #tpu.memory_space<vmem>> -> memref<1x100x128xf32, #tpu.memory_space<vmem>>
        %dma_wait3A_653 = tpu.memref_squeeze %dma_wait3A_652 : memref<1x100x128xf32, #tpu.memory_space<vmem>> -> memref<100x128xf32, #tpu.memory_space<vmem>>
        %dma_wait3A_654 = arith.constant 0 : i32
        %dma_wait3A_655 = arith.constant 0 : i32
        %dma_wait3A_656 = tpu.memref_slice %arg4[%mul3A_2, %dma_wait3A_654, %dma_wait3A_655] : memref<4096x100x128xf32, #tpu.memory_space<hbm>> -> memref<1x100x128xf32, #tpu.memory_space<hbm>>
        %dma_wait3A_657 = tpu.memref_squeeze %dma_wait3A_656 : memref<1x100x128xf32, #tpu.memory_space<hbm>> -> memref<100x128xf32, #tpu.memory_space<hbm>>
        %dma_wait3A_658 = tpu.memref_slice %arg8[%dma_wait3A_649] : memref<8x!tpu.dma_semaphore, #tpu.memory_space<semaphore_mem>> -> memref<1x!tpu.dma_semaphore, #tpu.memory_space<semaphore_mem>>
        %dma_wait3A_659 = tpu.memref_squeeze %dma_wait3A_658 : memref<1x!tpu.dma_semaphore, #tpu.memory_space<semaphore_mem>> -> memref<!tpu.dma_semaphore, #tpu.memory_space<semaphore_mem>>
        %dma_wait3A_660 = arith.constant 0 : i32
        %dma_wait3A_661 = arith.constant 0 : i32
        %dma_wait3A_662 = tpu.memref_slice %arg4[%mul3A_2, %dma_wait3A_660, %dma_wait3A_661] : memref<4096x100x128xf32, #tpu.memory_space<hbm>> -> memref<1x100x128xf32, #tpu.memory_space<hbm>>
        %dma_wait3A_663 = tpu.memref_squeeze %dma_wait3A_662 : memref<1x100x128xf32, #tpu.memory_space<hbm>> -> memref<100x128xf32, #tpu.memory_space<hbm>>
        %dma_wait3A_664 = arith.constant 0 : i32
        %dma_wait3A_665 = arith.constant 0 : i32
        %dma_wait3A_666 = tpu.memref_slice %arg6[%dma_wait3A_648, %dma_wait3A_664, %dma_wait3A_665] : memref<8x100x128xf32, #tpu.memory_space<vmem>> -> memref<1x100x128xf32, #tpu.memory_space<vmem>>
        %dma_wait3A_667 = tpu.memref_squeeze %dma_wait3A_666 : memref<1x100x128xf32, #tpu.memory_space<vmem>> -> memref<100x128xf32, #tpu.memory_space<vmem>>
        tpu.wait_dma2 semaphore(%dma_wait3A_659 : memref<!tpu.dma_semaphore, #tpu.memory_space<semaphore_mem>>) src(%dma_wait3A_667 : memref<100x128xf32, #tpu.memory_space<vmem>>) dst(%dma_wait3A_663 : memref<100x128xf32, #tpu.memory_space<hbm>>)
      } else {
      }
      %add3A_174 = arith.constant 0 : i32
      %add3A_175 = arith.addi %mul3A_171, %add3A_174 : i32
      %mul3A_176 = arith.constant 128 : i32
      %mul3A_177 = arith.muli %add3A_175, %mul3A_176 : i32
      %dma_start3A = arith.constant 0 : i32
      %dma_start3A_178 = arith.constant 0 : i32
      %dma_start3A_179 = arith.constant 0 : i32
      %dma_start3A_180 = arith.constant 0 : i32
      %dma_start3A_181 = tpu.memref_slice %arg6[%dma_start3A, %dma_start3A_179, %dma_start3A_180] : memref<8x100x128xf32, #tpu.memory_space<vmem>> -> memref<1x100x128xf32, #tpu.memory_space<vmem>>
      %dma_start3A_182 = tpu.memref_squeeze %dma_start3A_181 : memref<1x100x128xf32, #tpu.memory_space<vmem>> -> memref<100x128xf32, #tpu.memory_space<vmem>>
      %dma_start3A_183 = tpu.memref_slice %arg5[%mul3A_177] : memref<16384xi32, #tpu.memory_space<vmem>> -> memref<100xi32, #tpu.memory_space<vmem>>
      %dma_start3A_184 = arith.constant 0 : i32
      %dma_start3A_185 = arith.constant 0 : i32
      %dma_start3A_186 = tpu.memref_slice %arg3[%dma_start3A_184, %dma_start3A_185] : memref<100000x128xf32, #tpu.memory_space<hbm>> -> memref<100000x128xf32, #tpu.memory_space<hbm>>
      %dma_start3A_187 = tpu.memref_slice %arg7[%dma_start3A_178] : memref<8x!tpu.dma_semaphore, #tpu.memory_space<semaphore_mem>> -> memref<1x!tpu.dma_semaphore, #tpu.memory_space<semaphore_mem>>
      %dma_start3A_188 = tpu.memref_squeeze %dma_start3A_187 : memref<1x!tpu.dma_semaphore, #tpu.memory_space<semaphore_mem>> -> memref<!tpu.dma_semaphore, #tpu.memory_space<semaphore_mem>>
      tpu.enqueue_indirect_dma source(%dma_start3A_186 : memref<100000x128xf32, #tpu.memory_space<hbm>>) target(%dma_start3A_182 : memref<100x128xf32, #tpu.memory_space<vmem>>) offsets(%dma_start3A_183 : memref<100xi32, #tpu.memory_space<vmem>>) semaphore(%dma_start3A_188 : memref<!tpu.dma_semaphore, #tpu.memory_space<semaphore_mem>>)
      %gt3A_189 = arith.constant 0 : i32
      %gt3A_190 = arith.cmpi sgt, %scan3A_169, %gt3A_189 : i32
      %convert_element_type3A_191 = arith.extui %gt3A_190 : i1 to i32
      %cond3A_192 = arith.constant 0 : i32
      %cond3A_193 = arith.cmpi ne, %convert_element_type3A_191, %cond3A_192 : i32
      scf.if %cond3A_193 {
        %dma_wait3A_648 = arith.constant 1 : i32
        %dma_wait3A_649 = arith.constant 1 : i32
        %dma_wait3A_650 = arith.constant 0 : i32
        %dma_wait3A_651 = arith.constant 0 : i32
        %dma_wait3A_652 = tpu.memref_slice %arg6[%dma_wait3A_648, %dma_wait3A_650, %dma_wait3A_651] : memref<8x100x128xf32, #tpu.memory_space<vmem>> -> memref<1x100x128xf32, #tpu.memory_space<vmem>>
        %dma_wait3A_653 = tpu.memref_squeeze %dma_wait3A_652 : memref<1x100x128xf32, #tpu.memory_space<vmem>> -> memref<100x128xf32, #tpu.memory_space<vmem>>
        %dma_wait3A_654 = arith.constant 0 : i32
        %dma_wait3A_655 = arith.constant 0 : i32
        %dma_wait3A_656 = tpu.memref_slice %arg4[%mul3A_2, %dma_wait3A_654, %dma_wait3A_655] : memref<4096x100x128xf32, #tpu.memory_space<hbm>> -> memref<1x100x128xf32, #tpu.memory_space<hbm>>
        %dma_wait3A_657 = tpu.memref_squeeze %dma_wait3A_656 : memref<1x100x128xf32, #tpu.memory_space<hbm>> -> memref<100x128xf32, #tpu.memory_space<hbm>>
        %dma_wait3A_658 = tpu.memref_slice %arg8[%dma_wait3A_649] : memref<8x!tpu.dma_semaphore, #tpu.memory_space<semaphore_mem>> -> memref<1x!tpu.dma_semaphore, #tpu.memory_space<semaphore_mem>>
        %dma_wait3A_659 = tpu.memref_squeeze %dma_wait3A_658 : memref<1x!tpu.dma_semaphore, #tpu.memory_space<semaphore_mem>> -> memref<!tpu.dma_semaphore, #tpu.memory_space<semaphore_mem>>
        %dma_wait3A_660 = arith.constant 0 : i32
        %dma_wait3A_661 = arith.constant 0 : i32
        %dma_wait3A_662 = tpu.memref_slice %arg4[%mul3A_2, %dma_wait3A_660, %dma_wait3A_661] : memref<4096x100x128xf32, #tpu.memory_space<hbm>> -> memref<1x100x128xf32, #tpu.memory_space<hbm>>
        %dma_wait3A_663 = tpu.memref_squeeze %dma_wait3A_662 : memref<1x100x128xf32, #tpu.memory_space<hbm>> -> memref<100x128xf32, #tpu.memory_space<hbm>>
        %dma_wait3A_664 = arith.constant 0 : i32
        %dma_wait3A_665 = arith.constant 0 : i32
        %dma_wait3A_666 = tpu.memref_slice %arg6[%dma_wait3A_648, %dma_wait3A_664, %dma_wait3A_665] : memref<8x100x128xf32, #tpu.memory_space<vmem>> -> memref<1x100x128xf32, #tpu.memory_space<vmem>>
        %dma_wait3A_667 = tpu.memref_squeeze %dma_wait3A_666 : memref<1x100x128xf32, #tpu.memory_space<vmem>> -> memref<100x128xf32, #tpu.memory_space<vmem>>
        tpu.wait_dma2 semaphore(%dma_wait3A_659 : memref<!tpu.dma_semaphore, #tpu.memory_space<semaphore_mem>>) src(%dma_wait3A_667 : memref<100x128xf32, #tpu.memory_space<vmem>>) dst(%dma_wait3A_663 : memref<100x128xf32, #tpu.memory_space<hbm>>)
      } else {
      }
      %add3A_194 = arith.constant 1 : i32
      %add3A_195 = arith.addi %mul3A_171, %add3A_194 : i32
      %mul3A_196 = arith.constant 128 : i32
      %mul3A_197 = arith.muli %add3A_195, %mul3A_196 : i32
      %dma_start3A_198 = arith.constant 1 : i32
      %dma_start3A_199 = arith.constant 1 : i32
      %dma_start3A_200 = arith.constant 0 : i32
      %dma_start3A_201 = arith.constant 0 : i32
      %dma_start3A_202 = tpu.memref_slice %arg6[%dma_start3A_198, %dma_start3A_200, %dma_start3A_201] : memref<8x100x128xf32, #tpu.memory_space<vmem>> -> memref<1x100x128xf32, #tpu.memory_space<vmem>>
      %dma_start3A_203 = tpu.memref_squeeze %dma_start3A_202 : memref<1x100x128xf32, #tpu.memory_space<vmem>> -> memref<100x128xf32, #tpu.memory_space<vmem>>
      %dma_start3A_204 = tpu.memref_slice %arg5[%mul3A_197] : memref<16384xi32, #tpu.memory_space<vmem>> -> memref<100xi32, #tpu.memory_space<vmem>>
      %dma_start3A_205 = arith.constant 0 : i32
      %dma_start3A_206 = arith.constant 0 : i32
      %dma_start3A_207 = tpu.memref_slice %arg3[%dma_start3A_205, %dma_start3A_206] : memref<100000x128xf32, #tpu.memory_space<hbm>> -> memref<100000x128xf32, #tpu.memory_space<hbm>>
      %dma_start3A_208 = tpu.memref_slice %arg7[%dma_start3A_199] : memref<8x!tpu.dma_semaphore, #tpu.memory_space<semaphore_mem>> -> memref<1x!tpu.dma_semaphore, #tpu.memory_space<semaphore_mem>>
      %dma_start3A_209 = tpu.memref_squeeze %dma_start3A_208 : memref<1x!tpu.dma_semaphore, #tpu.memory_space<semaphore_mem>> -> memref<!tpu.dma_semaphore, #tpu.memory_space<semaphore_mem>>
      tpu.enqueue_indirect_dma source(%dma_start3A_207 : memref<100000x128xf32, #tpu.memory_space<hbm>>) target(%dma_start3A_203 : memref<100x128xf32, #tpu.memory_space<vmem>>) offsets(%dma_start3A_204 : memref<100xi32, #tpu.memory_space<vmem>>) semaphore(%dma_start3A_209 : memref<!tpu.dma_semaphore, #tpu.memory_space<semaphore_mem>>)
      %gt3A_210 = arith.constant 0 : i32
      %gt3A_211 = arith.cmpi sgt, %scan3A_169, %gt3A_210 : i32
      %convert_element_type3A_212 = arith.extui %gt3A_211 : i1 to i32
      %cond3A_213 = arith.constant 0 : i32
      %cond3A_214 = arith.cmpi ne, %convert_element_type3A_212, %cond3A_213 : i32
      scf.if %cond3A_214 {
        %dma_wait3A_648 = arith.constant 2 : i32
        %dma_wait3A_649 = arith.constant 2 : i32
        %dma_wait3A_650 = arith.constant 0 : i32
        %dma_wait3A_651 = arith.constant 0 : i32
        %dma_wait3A_652 = tpu.memref_slice %arg6[%dma_wait3A_648, %dma_wait3A_650, %dma_wait3A_651] : memref<8x100x128xf32, #tpu.memory_space<vmem>> -> memref<1x100x128xf32, #tpu.memory_space<vmem>>
        %dma_wait3A_653 = tpu.memref_squeeze %dma_wait3A_652 : memref<1x100x128xf32, #tpu.memory_space<vmem>> -> memref<100x128xf32, #tpu.memory_space<vmem>>
        %dma_wait3A_654 = arith.constant 0 : i32
        %dma_wait3A_655 = arith.constant 0 : i32
        %dma_wait3A_656 = tpu.memref_slice %arg4[%mul3A_2, %dma_wait3A_654, %dma_wait3A_655] : memref<4096x100x128xf32, #tpu.memory_space<hbm>> -> memref<1x100x128xf32, #tpu.memory_space<hbm>>
        %dma_wait3A_657 = tpu.memref_squeeze %dma_wait3A_656 : memref<1x100x128xf32, #tpu.memory_space<hbm>> -> memref<100x128xf32, #tpu.memory_space<hbm>>
        %dma_wait3A_658 = tpu.memref_slice %arg8[%dma_wait3A_649] : memref<8x!tpu.dma_semaphore, #tpu.memory_space<semaphore_mem>> -> memref<1x!tpu.dma_semaphore, #tpu.memory_space<semaphore_mem>>
        %dma_wait3A_659 = tpu.memref_squeeze %dma_wait3A_658 : memref<1x!tpu.dma_semaphore, #tpu.memory_space<semaphore_mem>> -> memref<!tpu.dma_semaphore, #tpu.memory_space<semaphore_mem>>
        %dma_wait3A_660 = arith.constant 0 : i32
        %dma_wait3A_661 = arith.constant 0 : i32
        %dma_wait3A_662 = tpu.memref_slice %arg4[%mul3A_2, %dma_wait3A_660, %dma_wait3A_661] : memref<4096x100x128xf32, #tpu.memory_space<hbm>> -> memref<1x100x128xf32, #tpu.memory_space<hbm>>
        %dma_wait3A_663 = tpu.memref_squeeze %dma_wait3A_662 : memref<1x100x128xf32, #tpu.memory_space<hbm>> -> memref<100x128xf32, #tpu.memory_space<hbm>>
        %dma_wait3A_664 = arith.constant 0 : i32
        %dma_wait3A_665 = arith.constant 0 : i32
        %dma_wait3A_666 = tpu.memref_slice %arg6[%dma_wait3A_648, %dma_wait3A_664, %dma_wait3A_665] : memref<8x100x128xf32, #tpu.memory_space<vmem>> -> memref<1x100x128xf32, #tpu.memory_space<vmem>>
        %dma_wait3A_667 = tpu.memref_squeeze %dma_wait3A_666 : memref<1x100x128xf32, #tpu.memory_space<vmem>> -> memref<100x128xf32, #tpu.memory_space<vmem>>
        tpu.wait_dma2 semaphore(%dma_wait3A_659 : memref<!tpu.dma_semaphore, #tpu.memory_space<semaphore_mem>>) src(%dma_wait3A_667 : memref<100x128xf32, #tpu.memory_space<vmem>>) dst(%dma_wait3A_663 : memref<100x128xf32, #tpu.memory_space<hbm>>)
      } else {
      }
      %add3A_215 = arith.constant 2 : i32
      %add3A_216 = arith.addi %mul3A_171, %add3A_215 : i32
      %mul3A_217 = arith.constant 128 : i32
      %mul3A_218 = arith.muli %add3A_216, %mul3A_217 : i32
      %dma_start3A_219 = arith.constant 2 : i32
      %dma_start3A_220 = arith.constant 2 : i32
      %dma_start3A_221 = arith.constant 0 : i32
      %dma_start3A_222 = arith.constant 0 : i32
      %dma_start3A_223 = tpu.memref_slice %arg6[%dma_start3A_219, %dma_start3A_221, %dma_start3A_222] : memref<8x100x128xf32, #tpu.memory_space<vmem>> -> memref<1x100x128xf32, #tpu.memory_space<vmem>>
      %dma_start3A_224 = tpu.memref_squeeze %dma_start3A_223 : memref<1x100x128xf32, #tpu.memory_space<vmem>> -> memref<100x128xf32, #tpu.memory_space<vmem>>
      %dma_start3A_225 = tpu.memref_slice %arg5[%mul3A_218] : memref<16384xi32, #tpu.memory_space<vmem>> -> memref<100xi32, #tpu.memory_space<vmem>>
      %dma_start3A_226 = arith.constant 0 : i32
      %dma_start3A_227 = arith.constant 0 : i32
      %dma_start3A_228 = tpu.memref_slice %arg3[%dma_start3A_226, %dma_start3A_227] : memref<100000x128xf32, #tpu.memory_space<hbm>> -> memref<100000x128xf32, #tpu.memory_space<hbm>>
      %dma_start3A_229 = tpu.memref_slice %arg7[%dma_start3A_220] : memref<8x!tpu.dma_semaphore, #tpu.memory_space<semaphore_mem>> -> memref<1x!tpu.dma_semaphore, #tpu.memory_space<semaphore_mem>>
      %dma_start3A_230 = tpu.memref_squeeze %dma_start3A_229 : memref<1x!tpu.dma_semaphore, #tpu.memory_space<semaphore_mem>> -> memref<!tpu.dma_semaphore, #tpu.memory_space<semaphore_mem>>
      tpu.enqueue_indirect_dma source(%dma_start3A_228 : memref<100000x128xf32, #tpu.memory_space<hbm>>) target(%dma_start3A_224 : memref<100x128xf32, #tpu.memory_space<vmem>>) offsets(%dma_start3A_225 : memref<100xi32, #tpu.memory_space<vmem>>) semaphore(%dma_start3A_230 : memref<!tpu.dma_semaphore, #tpu.memory_space<semaphore_mem>>)
      %gt3A_231 = arith.constant 0 : i32
      %gt3A_232 = arith.cmpi sgt, %scan3A_169, %gt3A_231 : i32
      %convert_element_type3A_233 = arith.extui %gt3A_232 : i1 to i32
      %cond3A_234 = arith.constant 0 : i32
      %cond3A_235 = arith.cmpi ne, %convert_element_type3A_233, %cond3A_234 : i32
      scf.if %cond3A_235 {
        %dma_wait3A_648 = arith.constant 3 : i32
        %dma_wait3A_649 = arith.constant 3 : i32
        %dma_wait3A_650 = arith.constant 0 : i32
        %dma_wait3A_651 = arith.constant 0 : i32
        %dma_wait3A_652 = tpu.memref_slice %arg6[%dma_wait3A_648, %dma_wait3A_650, %dma_wait3A_651] : memref<8x100x128xf32, #tpu.memory_space<vmem>> -> memref<1x100x128xf32, #tpu.memory_space<vmem>>
        %dma_wait3A_653 = tpu.memref_squeeze %dma_wait3A_652 : memref<1x100x128xf32, #tpu.memory_space<vmem>> -> memref<100x128xf32, #tpu.memory_space<vmem>>
        %dma_wait3A_654 = arith.constant 0 : i32
        %dma_wait3A_655 = arith.constant 0 : i32
        %dma_wait3A_656 = tpu.memref_slice %arg4[%mul3A_2, %dma_wait3A_654, %dma_wait3A_655] : memref<4096x100x128xf32, #tpu.memory_space<hbm>> -> memref<1x100x128xf32, #tpu.memory_space<hbm>>
        %dma_wait3A_657 = tpu.memref_squeeze %dma_wait3A_656 : memref<1x100x128xf32, #tpu.memory_space<hbm>> -> memref<100x128xf32, #tpu.memory_space<hbm>>
        %dma_wait3A_658 = tpu.memref_slice %arg8[%dma_wait3A_649] : memref<8x!tpu.dma_semaphore, #tpu.memory_space<semaphore_mem>> -> memref<1x!tpu.dma_semaphore, #tpu.memory_space<semaphore_mem>>
        %dma_wait3A_659 = tpu.memref_squeeze %dma_wait3A_658 : memref<1x!tpu.dma_semaphore, #tpu.memory_space<semaphore_mem>> -> memref<!tpu.dma_semaphore, #tpu.memory_space<semaphore_mem>>
        %dma_wait3A_660 = arith.constant 0 : i32
        %dma_wait3A_661 = arith.constant 0 : i32
        %dma_wait3A_662 = tpu.memref_slice %arg4[%mul3A_2, %dma_wait3A_660, %dma_wait3A_661] : memref<4096x100x128xf32, #tpu.memory_space<hbm>> -> memref<1x100x128xf32, #tpu.memory_space<hbm>>
        %dma_wait3A_663 = tpu.memref_squeeze %dma_wait3A_662 : memref<1x100x128xf32, #tpu.memory_space<hbm>> -> memref<100x128xf32, #tpu.memory_space<hbm>>
        %dma_wait3A_664 = arith.constant 0 : i32
        %dma_wait3A_665 = arith.constant 0 : i32
        %dma_wait3A_666 = tpu.memref_slice %arg6[%dma_wait3A_648, %dma_wait3A_664, %dma_wait3A_665] : memref<8x100x128xf32, #tpu.memory_space<vmem>> -> memref<1x100x128xf32, #tpu.memory_space<vmem>>
        %dma_wait3A_667 = tpu.memref_squeeze %dma_wait3A_666 : memref<1x100x128xf32, #tpu.memory_space<vmem>> -> memref<100x128xf32, #tpu.memory_space<vmem>>
        tpu.wait_dma2 semaphore(%dma_wait3A_659 : memref<!tpu.dma_semaphore, #tpu.memory_space<semaphore_mem>>) src(%dma_wait3A_667 : memref<100x128xf32, #tpu.memory_space<vmem>>) dst(%dma_wait3A_663 : memref<100x128xf32, #tpu.memory_space<hbm>>)
      } else {
      }
      %add3A_236 = arith.constant 3 : i32
      %add3A_237 = arith.addi %mul3A_171, %add3A_236 : i32
      %mul3A_238 = arith.constant 128 : i32
      %mul3A_239 = arith.muli %add3A_237, %mul3A_238 : i32
      %dma_start3A_240 = arith.constant 3 : i32
      %dma_start3A_241 = arith.constant 3 : i32
      %dma_start3A_242 = arith.constant 0 : i32
      %dma_start3A_243 = arith.constant 0 : i32
      %dma_start3A_244 = tpu.memref_slice %arg6[%dma_start3A_240, %dma_start3A_242, %dma_start3A_243] : memref<8x100x128xf32, #tpu.memory_space<vmem>> -> memref<1x100x128xf32, #tpu.memory_space<vmem>>
      %dma_start3A_245 = tpu.memref_squeeze %dma_start3A_244 : memref<1x100x128xf32, #tpu.memory_space<vmem>> -> memref<100x128xf32, #tpu.memory_space<vmem>>
      %dma_start3A_246 = tpu.memref_slice %arg5[%mul3A_239] : memref<16384xi32, #tpu.memory_space<vmem>> -> memref<100xi32, #tpu.memory_space<vmem>>
      %dma_start3A_247 = arith.constant 0 : i32
      %dma_start3A_248 = arith.constant 0 : i32
      %dma_start3A_249 = tpu.memref_slice %arg3[%dma_start3A_247, %dma_start3A_248] : memref<100000x128xf32, #tpu.memory_space<hbm>> -> memref<100000x128xf32, #tpu.memory_space<hbm>>
      %dma_start3A_250 = tpu.memref_slice %arg7[%dma_start3A_241] : memref<8x!tpu.dma_semaphore, #tpu.memory_space<semaphore_mem>> -> memref<1x!tpu.dma_semaphore, #tpu.memory_space<semaphore_mem>>
      %dma_start3A_251 = tpu.memref_squeeze %dma_start3A_250 : memref<1x!tpu.dma_semaphore, #tpu.memory_space<semaphore_mem>> -> memref<!tpu.dma_semaphore, #tpu.memory_space<semaphore_mem>>
      tpu.enqueue_indirect_dma source(%dma_start3A_249 : memref<100000x128xf32, #tpu.memory_space<hbm>>) target(%dma_start3A_245 : memref<100x128xf32, #tpu.memory_space<vmem>>) offsets(%dma_start3A_246 : memref<100xi32, #tpu.memory_space<vmem>>) semaphore(%dma_start3A_251 : memref<!tpu.dma_semaphore, #tpu.memory_space<semaphore_mem>>)
      %gt3A_252 = arith.constant 0 : i32
      %gt3A_253 = arith.cmpi sgt, %scan3A_169, %gt3A_252 : i32
      %convert_element_type3A_254 = arith.extui %gt3A_253 : i1 to i32
      %cond3A_255 = arith.constant 0 : i32
      %cond3A_256 = arith.cmpi ne, %convert_element_type3A_254, %cond3A_255 : i32
      scf.if %cond3A_256 {
        %dma_wait3A_648 = arith.constant 4 : i32
        %dma_wait3A_649 = arith.constant 4 : i32
        %dma_wait3A_650 = arith.constant 0 : i32
        %dma_wait3A_651 = arith.constant 0 : i32
        %dma_wait3A_652 = tpu.memref_slice %arg6[%dma_wait3A_648, %dma_wait3A_650, %dma_wait3A_651] : memref<8x100x128xf32, #tpu.memory_space<vmem>> -> memref<1x100x128xf32, #tpu.memory_space<vmem>>
        %dma_wait3A_653 = tpu.memref_squeeze %dma_wait3A_652 : memref<1x100x128xf32, #tpu.memory_space<vmem>> -> memref<100x128xf32, #tpu.memory_space<vmem>>
        %dma_wait3A_654 = arith.constant 0 : i32
        %dma_wait3A_655 = arith.constant 0 : i32
        %dma_wait3A_656 = tpu.memref_slice %arg4[%mul3A_2, %dma_wait3A_654, %dma_wait3A_655] : memref<4096x100x128xf32, #tpu.memory_space<hbm>> -> memref<1x100x128xf32, #tpu.memory_space<hbm>>
        %dma_wait3A_657 = tpu.memref_squeeze %dma_wait3A_656 : memref<1x100x128xf32, #tpu.memory_space<hbm>> -> memref<100x128xf32, #tpu.memory_space<hbm>>
        %dma_wait3A_658 = tpu.memref_slice %arg8[%dma_wait3A_649] : memref<8x!tpu.dma_semaphore, #tpu.memory_space<semaphore_mem>> -> memref<1x!tpu.dma_semaphore, #tpu.memory_space<semaphore_mem>>
        %dma_wait3A_659 = tpu.memref_squeeze %dma_wait3A_658 : memref<1x!tpu.dma_semaphore, #tpu.memory_space<semaphore_mem>> -> memref<!tpu.dma_semaphore, #tpu.memory_space<semaphore_mem>>
        %dma_wait3A_660 = arith.constant 0 : i32
        %dma_wait3A_661 = arith.constant 0 : i32
        %dma_wait3A_662 = tpu.memref_slice %arg4[%mul3A_2, %dma_wait3A_660, %dma_wait3A_661] : memref<4096x100x128xf32, #tpu.memory_space<hbm>> -> memref<1x100x128xf32, #tpu.memory_space<hbm>>
        %dma_wait3A_663 = tpu.memref_squeeze %dma_wait3A_662 : memref<1x100x128xf32, #tpu.memory_space<hbm>> -> memref<100x128xf32, #tpu.memory_space<hbm>>
        %dma_wait3A_664 = arith.constant 0 : i32
        %dma_wait3A_665 = arith.constant 0 : i32
        %dma_wait3A_666 = tpu.memref_slice %arg6[%dma_wait3A_648, %dma_wait3A_664, %dma_wait3A_665] : memref<8x100x128xf32, #tpu.memory_space<vmem>> -> memref<1x100x128xf32, #tpu.memory_space<vmem>>
        %dma_wait3A_667 = tpu.memref_squeeze %dma_wait3A_666 : memref<1x100x128xf32, #tpu.memory_space<vmem>> -> memref<100x128xf32, #tpu.memory_space<vmem>>
        tpu.wait_dma2 semaphore(%dma_wait3A_659 : memref<!tpu.dma_semaphore, #tpu.memory_space<semaphore_mem>>) src(%dma_wait3A_667 : memref<100x128xf32, #tpu.memory_space<vmem>>) dst(%dma_wait3A_663 : memref<100x128xf32, #tpu.memory_space<hbm>>)
      } else {
      }
      %add3A_257 = arith.constant 4 : i32
      %add3A_258 = arith.addi %mul3A_171, %add3A_257 : i32
      %mul3A_259 = arith.constant 128 : i32
      %mul3A_260 = arith.muli %add3A_258, %mul3A_259 : i32
      %dma_start3A_261 = arith.constant 4 : i32
      %dma_start3A_262 = arith.constant 4 : i32
      %dma_start3A_263 = arith.constant 0 : i32
      %dma_start3A_264 = arith.constant 0 : i32
      %dma_start3A_265 = tpu.memref_slice %arg6[%dma_start3A_261, %dma_start3A_263, %dma_start3A_264] : memref<8x100x128xf32, #tpu.memory_space<vmem>> -> memref<1x100x128xf32, #tpu.memory_space<vmem>>
      %dma_start3A_266 = tpu.memref_squeeze %dma_start3A_265 : memref<1x100x128xf32, #tpu.memory_space<vmem>> -> memref<100x128xf32, #tpu.memory_space<vmem>>
      %dma_start3A_267 = tpu.memref_slice %arg5[%mul3A_260] : memref<16384xi32, #tpu.memory_space<vmem>> -> memref<100xi32, #tpu.memory_space<vmem>>
      %dma_start3A_268 = arith.constant 0 : i32
      %dma_start3A_269 = arith.constant 0 : i32
      %dma_start3A_270 = tpu.memref_slice %arg3[%dma_start3A_268, %dma_start3A_269] : memref<100000x128xf32, #tpu.memory_space<hbm>> -> memref<100000x128xf32, #tpu.memory_space<hbm>>
      %dma_start3A_271 = tpu.memref_slice %arg7[%dma_start3A_262] : memref<8x!tpu.dma_semaphore, #tpu.memory_space<semaphore_mem>> -> memref<1x!tpu.dma_semaphore, #tpu.memory_space<semaphore_mem>>
      %dma_start3A_272 = tpu.memref_squeeze %dma_start3A_271 : memref<1x!tpu.dma_semaphore, #tpu.memory_space<semaphore_mem>> -> memref<!tpu.dma_semaphore, #tpu.memory_space<semaphore_mem>>
      tpu.enqueue_indirect_dma source(%dma_start3A_270 : memref<100000x128xf32, #tpu.memory_space<hbm>>) target(%dma_start3A_266 : memref<100x128xf32, #tpu.memory_space<vmem>>) offsets(%dma_start3A_267 : memref<100xi32, #tpu.memory_space<vmem>>) semaphore(%dma_start3A_272 : memref<!tpu.dma_semaphore, #tpu.memory_space<semaphore_mem>>)
      %gt3A_273 = arith.constant 0 : i32
      %gt3A_274 = arith.cmpi sgt, %scan3A_169, %gt3A_273 : i32
      %convert_element_type3A_275 = arith.extui %gt3A_274 : i1 to i32
      %cond3A_276 = arith.constant 0 : i32
      %cond3A_277 = arith.cmpi ne, %convert_element_type3A_275, %cond3A_276 : i32
      scf.if %cond3A_277 {
        %dma_wait3A_648 = arith.constant 5 : i32
        %dma_wait3A_649 = arith.constant 5 : i32
        %dma_wait3A_650 = arith.constant 0 : i32
        %dma_wait3A_651 = arith.constant 0 : i32
        %dma_wait3A_652 = tpu.memref_slice %arg6[%dma_wait3A_648, %dma_wait3A_650, %dma_wait3A_651] : memref<8x100x128xf32, #tpu.memory_space<vmem>> -> memref<1x100x128xf32, #tpu.memory_space<vmem>>
        %dma_wait3A_653 = tpu.memref_squeeze %dma_wait3A_652 : memref<1x100x128xf32, #tpu.memory_space<vmem>> -> memref<100x128xf32, #tpu.memory_space<vmem>>
        %dma_wait3A_654 = arith.constant 0 : i32
        %dma_wait3A_655 = arith.constant 0 : i32
        %dma_wait3A_656 = tpu.memref_slice %arg4[%mul3A_2, %dma_wait3A_654, %dma_wait3A_655] : memref<4096x100x128xf32, #tpu.memory_space<hbm>> -> memref<1x100x128xf32, #tpu.memory_space<hbm>>
        %dma_wait3A_657 = tpu.memref_squeeze %dma_wait3A_656 : memref<1x100x128xf32, #tpu.memory_space<hbm>> -> memref<100x128xf32, #tpu.memory_space<hbm>>
        %dma_wait3A_658 = tpu.memref_slice %arg8[%dma_wait3A_649] : memref<8x!tpu.dma_semaphore, #tpu.memory_space<semaphore_mem>> -> memref<1x!tpu.dma_semaphore, #tpu.memory_space<semaphore_mem>>
        %dma_wait3A_659 = tpu.memref_squeeze %dma_wait3A_658 : memref<1x!tpu.dma_semaphore, #tpu.memory_space<semaphore_mem>> -> memref<!tpu.dma_semaphore, #tpu.memory_space<semaphore_mem>>
        %dma_wait3A_660 = arith.constant 0 : i32
        %dma_wait3A_661 = arith.constant 0 : i32
        %dma_wait3A_662 = tpu.memref_slice %arg4[%mul3A_2, %dma_wait3A_660, %dma_wait3A_661] : memref<4096x100x128xf32, #tpu.memory_space<hbm>> -> memref<1x100x128xf32, #tpu.memory_space<hbm>>
        %dma_wait3A_663 = tpu.memref_squeeze %dma_wait3A_662 : memref<1x100x128xf32, #tpu.memory_space<hbm>> -> memref<100x128xf32, #tpu.memory_space<hbm>>
        %dma_wait3A_664 = arith.constant 0 : i32
        %dma_wait3A_665 = arith.constant 0 : i32
        %dma_wait3A_666 = tpu.memref_slice %arg6[%dma_wait3A_648, %dma_wait3A_664, %dma_wait3A_665] : memref<8x100x128xf32, #tpu.memory_space<vmem>> -> memref<1x100x128xf32, #tpu.memory_space<vmem>>
        %dma_wait3A_667 = tpu.memref_squeeze %dma_wait3A_666 : memref<1x100x128xf32, #tpu.memory_space<vmem>> -> memref<100x128xf32, #tpu.memory_space<vmem>>
        tpu.wait_dma2 semaphore(%dma_wait3A_659 : memref<!tpu.dma_semaphore, #tpu.memory_space<semaphore_mem>>) src(%dma_wait3A_667 : memref<100x128xf32, #tpu.memory_space<vmem>>) dst(%dma_wait3A_663 : memref<100x128xf32, #tpu.memory_space<hbm>>)
      } else {
      }
      %add3A_278 = arith.constant 5 : i32
      %add3A_279 = arith.addi %mul3A_171, %add3A_278 : i32
      %mul3A_280 = arith.constant 128 : i32
      %mul3A_281 = arith.muli %add3A_279, %mul3A_280 : i32
      %dma_start3A_282 = arith.constant 5 : i32
      %dma_start3A_283 = arith.constant 5 : i32
      %dma_start3A_284 = arith.constant 0 : i32
      %dma_start3A_285 = arith.constant 0 : i32
      %dma_start3A_286 = tpu.memref_slice %arg6[%dma_start3A_282, %dma_start3A_284, %dma_start3A_285] : memref<8x100x128xf32, #tpu.memory_space<vmem>> -> memref<1x100x128xf32, #tpu.memory_space<vmem>>
      %dma_start3A_287 = tpu.memref_squeeze %dma_start3A_286 : memref<1x100x128xf32, #tpu.memory_space<vmem>> -> memref<100x128xf32, #tpu.memory_space<vmem>>
      %dma_start3A_288 = tpu.memref_slice %arg5[%mul3A_281] : memref<16384xi32, #tpu.memory_space<vmem>> -> memref<100xi32, #tpu.memory_space<vmem>>
      %dma_start3A_289 = arith.constant 0 : i32
      %dma_start3A_290 = arith.constant 0 : i32
      %dma_start3A_291 = tpu.memref_slice %arg3[%dma_start3A_289, %dma_start3A_290] : memref<100000x128xf32, #tpu.memory_space<hbm>> -> memref<100000x128xf32, #tpu.memory_space<hbm>>
      %dma_start3A_292 = tpu.memref_slice %arg7[%dma_start3A_283] : memref<8x!tpu.dma_semaphore, #tpu.memory_space<semaphore_mem>> -> memref<1x!tpu.dma_semaphore, #tpu.memory_space<semaphore_mem>>
      %dma_start3A_293 = tpu.memref_squeeze %dma_start3A_292 : memref<1x!tpu.dma_semaphore, #tpu.memory_space<semaphore_mem>> -> memref<!tpu.dma_semaphore, #tpu.memory_space<semaphore_mem>>
      tpu.enqueue_indirect_dma source(%dma_start3A_291 : memref<100000x128xf32, #tpu.memory_space<hbm>>) target(%dma_start3A_287 : memref<100x128xf32, #tpu.memory_space<vmem>>) offsets(%dma_start3A_288 : memref<100xi32, #tpu.memory_space<vmem>>) semaphore(%dma_start3A_293 : memref<!tpu.dma_semaphore, #tpu.memory_space<semaphore_mem>>)
      %gt3A_294 = arith.constant 0 : i32
      %gt3A_295 = arith.cmpi sgt, %scan3A_169, %gt3A_294 : i32
      %convert_element_type3A_296 = arith.extui %gt3A_295 : i1 to i32
      %cond3A_297 = arith.constant 0 : i32
      %cond3A_298 = arith.cmpi ne, %convert_element_type3A_296, %cond3A_297 : i32
      scf.if %cond3A_298 {
        %dma_wait3A_648 = arith.constant 6 : i32
        %dma_wait3A_649 = arith.constant 6 : i32
        %dma_wait3A_650 = arith.constant 0 : i32
        %dma_wait3A_651 = arith.constant 0 : i32
        %dma_wait3A_652 = tpu.memref_slice %arg6[%dma_wait3A_648, %dma_wait3A_650, %dma_wait3A_651] : memref<8x100x128xf32, #tpu.memory_space<vmem>> -> memref<1x100x128xf32, #tpu.memory_space<vmem>>
        %dma_wait3A_653 = tpu.memref_squeeze %dma_wait3A_652 : memref<1x100x128xf32, #tpu.memory_space<vmem>> -> memref<100x128xf32, #tpu.memory_space<vmem>>
        %dma_wait3A_654 = arith.constant 0 : i32
        %dma_wait3A_655 = arith.constant 0 : i32
        %dma_wait3A_656 = tpu.memref_slice %arg4[%mul3A_2, %dma_wait3A_654, %dma_wait3A_655] : memref<4096x100x128xf32, #tpu.memory_space<hbm>> -> memref<1x100x128xf32, #tpu.memory_space<hbm>>
        %dma_wait3A_657 = tpu.memref_squeeze %dma_wait3A_656 : memref<1x100x128xf32, #tpu.memory_space<hbm>> -> memref<100x128xf32, #tpu.memory_space<hbm>>
        %dma_wait3A_658 = tpu.memref_slice %arg8[%dma_wait3A_649] : memref<8x!tpu.dma_semaphore, #tpu.memory_space<semaphore_mem>> -> memref<1x!tpu.dma_semaphore, #tpu.memory_space<semaphore_mem>>
        %dma_wait3A_659 = tpu.memref_squeeze %dma_wait3A_658 : memref<1x!tpu.dma_semaphore, #tpu.memory_space<semaphore_mem>> -> memref<!tpu.dma_semaphore, #tpu.memory_space<semaphore_mem>>
        %dma_wait3A_660 = arith.constant 0 : i32
        %dma_wait3A_661 = arith.constant 0 : i32
        %dma_wait3A_662 = tpu.memref_slice %arg4[%mul3A_2, %dma_wait3A_660, %dma_wait3A_661] : memref<4096x100x128xf32, #tpu.memory_space<hbm>> -> memref<1x100x128xf32, #tpu.memory_space<hbm>>
        %dma_wait3A_663 = tpu.memref_squeeze %dma_wait3A_662 : memref<1x100x128xf32, #tpu.memory_space<hbm>> -> memref<100x128xf32, #tpu.memory_space<hbm>>
        %dma_wait3A_664 = arith.constant 0 : i32
        %dma_wait3A_665 = arith.constant 0 : i32
        %dma_wait3A_666 = tpu.memref_slice %arg6[%dma_wait3A_648, %dma_wait3A_664, %dma_wait3A_665] : memref<8x100x128xf32, #tpu.memory_space<vmem>> -> memref<1x100x128xf32, #tpu.memory_space<vmem>>
        %dma_wait3A_667 = tpu.memref_squeeze %dma_wait3A_666 : memref<1x100x128xf32, #tpu.memory_space<vmem>> -> memref<100x128xf32, #tpu.memory_space<vmem>>
        tpu.wait_dma2 semaphore(%dma_wait3A_659 : memref<!tpu.dma_semaphore, #tpu.memory_space<semaphore_mem>>) src(%dma_wait3A_667 : memref<100x128xf32, #tpu.memory_space<vmem>>) dst(%dma_wait3A_663 : memref<100x128xf32, #tpu.memory_space<hbm>>)
      } else {
      }
      %add3A_299 = arith.constant 6 : i32
      %add3A_300 = arith.addi %mul3A_171, %add3A_299 : i32
      %mul3A_301 = arith.constant 128 : i32
      %mul3A_302 = arith.muli %add3A_300, %mul3A_301 : i32
      %dma_start3A_303 = arith.constant 6 : i32
      %dma_start3A_304 = arith.constant 6 : i32
      %dma_start3A_305 = arith.constant 0 : i32
      %dma_start3A_306 = arith.constant 0 : i32
      %dma_start3A_307 = tpu.memref_slice %arg6[%dma_start3A_303, %dma_start3A_305, %dma_start3A_306] : memref<8x100x128xf32, #tpu.memory_space<vmem>> -> memref<1x100x128xf32, #tpu.memory_space<vmem>>
      %dma_start3A_308 = tpu.memref_squeeze %dma_start3A_307 : memref<1x100x128xf32, #tpu.memory_space<vmem>> -> memref<100x128xf32, #tpu.memory_space<vmem>>
      %dma_start3A_309 = tpu.memref_slice %arg5[%mul3A_302] : memref<16384xi32, #tpu.memory_space<vmem>> -> memref<100xi32, #tpu.memory_space<vmem>>
      %dma_start3A_310 = arith.constant 0 : i32
      %dma_start3A_311 = arith.constant 0 : i32
      %dma_start3A_312 = tpu.memref_slice %arg3[%dma_start3A_310, %dma_start3A_311] : memref<100000x128xf32, #tpu.memory_space<hbm>> -> memref<100000x128xf32, #tpu.memory_space<hbm>>
      %dma_start3A_313 = tpu.memref_slice %arg7[%dma_start3A_304] : memref<8x!tpu.dma_semaphore, #tpu.memory_space<semaphore_mem>> -> memref<1x!tpu.dma_semaphore, #tpu.memory_space<semaphore_mem>>
      %dma_start3A_314 = tpu.memref_squeeze %dma_start3A_313 : memref<1x!tpu.dma_semaphore, #tpu.memory_space<semaphore_mem>> -> memref<!tpu.dma_semaphore, #tpu.memory_space<semaphore_mem>>
      tpu.enqueue_indirect_dma source(%dma_start3A_312 : memref<100000x128xf32, #tpu.memory_space<hbm>>) target(%dma_start3A_308 : memref<100x128xf32, #tpu.memory_space<vmem>>) offsets(%dma_start3A_309 : memref<100xi32, #tpu.memory_space<vmem>>) semaphore(%dma_start3A_314 : memref<!tpu.dma_semaphore, #tpu.memory_space<semaphore_mem>>)
      %gt3A_315 = arith.constant 0 : i32
      %gt3A_316 = arith.cmpi sgt, %scan3A_169, %gt3A_315 : i32
      %convert_element_type3A_317 = arith.extui %gt3A_316 : i1 to i32
      %cond3A_318 = arith.constant 0 : i32
      %cond3A_319 = arith.cmpi ne, %convert_element_type3A_317, %cond3A_318 : i32
      scf.if %cond3A_319 {
        %dma_wait3A_648 = arith.constant 7 : i32
        %dma_wait3A_649 = arith.constant 7 : i32
        %dma_wait3A_650 = arith.constant 0 : i32
        %dma_wait3A_651 = arith.constant 0 : i32
        %dma_wait3A_652 = tpu.memref_slice %arg6[%dma_wait3A_648, %dma_wait3A_650, %dma_wait3A_651] : memref<8x100x128xf32, #tpu.memory_space<vmem>> -> memref<1x100x128xf32, #tpu.memory_space<vmem>>
        %dma_wait3A_653 = tpu.memref_squeeze %dma_wait3A_652 : memref<1x100x128xf32, #tpu.memory_space<vmem>> -> memref<100x128xf32, #tpu.memory_space<vmem>>
        %dma_wait3A_654 = arith.constant 0 : i32
        %dma_wait3A_655 = arith.constant 0 : i32
        %dma_wait3A_656 = tpu.memref_slice %arg4[%mul3A_2, %dma_wait3A_654, %dma_wait3A_655] : memref<4096x100x128xf32, #tpu.memory_space<hbm>> -> memref<1x100x128xf32, #tpu.memory_space<hbm>>
        %dma_wait3A_657 = tpu.memref_squeeze %dma_wait3A_656 : memref<1x100x128xf32, #tpu.memory_space<hbm>> -> memref<100x128xf32, #tpu.memory_space<hbm>>
        %dma_wait3A_658 = tpu.memref_slice %arg8[%dma_wait3A_649] : memref<8x!tpu.dma_semaphore, #tpu.memory_space<semaphore_mem>> -> memref<1x!tpu.dma_semaphore, #tpu.memory_space<semaphore_mem>>
        %dma_wait3A_659 = tpu.memref_squeeze %dma_wait3A_658 : memref<1x!tpu.dma_semaphore, #tpu.memory_space<semaphore_mem>> -> memref<!tpu.dma_semaphore, #tpu.memory_space<semaphore_mem>>
        %dma_wait3A_660 = arith.constant 0 : i32
        %dma_wait3A_661 = arith.constant 0 : i32
        %dma_wait3A_662 = tpu.memref_slice %arg4[%mul3A_2, %dma_wait3A_660, %dma_wait3A_661] : memref<4096x100x128xf32, #tpu.memory_space<hbm>> -> memref<1x100x128xf32, #tpu.memory_space<hbm>>
        %dma_wait3A_663 = tpu.memref_squeeze %dma_wait3A_662 : memref<1x100x128xf32, #tpu.memory_space<hbm>> -> memref<100x128xf32, #tpu.memory_space<hbm>>
        %dma_wait3A_664 = arith.constant 0 : i32
        %dma_wait3A_665 = arith.constant 0 : i32
        %dma_wait3A_666 = tpu.memref_slice %arg6[%dma_wait3A_648, %dma_wait3A_664, %dma_wait3A_665] : memref<8x100x128xf32, #tpu.memory_space<vmem>> -> memref<1x100x128xf32, #tpu.memory_space<vmem>>
        %dma_wait3A_667 = tpu.memref_squeeze %dma_wait3A_666 : memref<1x100x128xf32, #tpu.memory_space<vmem>> -> memref<100x128xf32, #tpu.memory_space<vmem>>
        tpu.wait_dma2 semaphore(%dma_wait3A_659 : memref<!tpu.dma_semaphore, #tpu.memory_space<semaphore_mem>>) src(%dma_wait3A_667 : memref<100x128xf32, #tpu.memory_space<vmem>>) dst(%dma_wait3A_663 : memref<100x128xf32, #tpu.memory_space<hbm>>)
      } else {
      }
      %add3A_320 = arith.constant 7 : i32
      %add3A_321 = arith.addi %mul3A_171, %add3A_320 : i32
      %mul3A_322 = arith.constant 128 : i32
      %mul3A_323 = arith.muli %add3A_321, %mul3A_322 : i32
      %dma_start3A_324 = arith.constant 7 : i32
      %dma_start3A_325 = arith.constant 7 : i32
      %dma_start3A_326 = arith.constant 0 : i32
      %dma_start3A_327 = arith.constant 0 : i32
      %dma_start3A_328 = tpu.memref_slice %arg6[%dma_start3A_324, %dma_start3A_326, %dma_start3A_327] : memref<8x100x128xf32, #tpu.memory_space<vmem>> -> memref<1x100x128xf32, #tpu.memory_space<vmem>>
      %dma_start3A_329 = tpu.memref_squeeze %dma_start3A_328 : memref<1x100x128xf32, #tpu.memory_space<vmem>> -> memref<100x128xf32, #tpu.memory_space<vmem>>
      %dma_start3A_330 = tpu.memref_slice %arg5[%mul3A_323] : memref<16384xi32, #tpu.memory_space<vmem>> -> memref<100xi32, #tpu.memory_space<vmem>>
      %dma_start3A_331 = arith.constant 0 : i32
      %dma_start3A_332 = arith.constant 0 : i32
      %dma_start3A_333 = tpu.memref_slice %arg3[%dma_start3A_331, %dma_start3A_332] : memref<100000x128xf32, #tpu.memory_space<hbm>> -> memref<100000x128xf32, #tpu.memory_space<hbm>>
      %dma_start3A_334 = tpu.memref_slice %arg7[%dma_start3A_325] : memref<8x!tpu.dma_semaphore, #tpu.memory_space<semaphore_mem>> -> memref<1x!tpu.dma_semaphore, #tpu.memory_space<semaphore_mem>>
      %dma_start3A_335 = tpu.memref_squeeze %dma_start3A_334 : memref<1x!tpu.dma_semaphore, #tpu.memory_space<semaphore_mem>> -> memref<!tpu.dma_semaphore, #tpu.memory_space<semaphore_mem>>
      tpu.enqueue_indirect_dma source(%dma_start3A_333 : memref<100000x128xf32, #tpu.memory_space<hbm>>) target(%dma_start3A_329 : memref<100x128xf32, #tpu.memory_space<vmem>>) offsets(%dma_start3A_330 : memref<100xi32, #tpu.memory_space<vmem>>) semaphore(%dma_start3A_335 : memref<!tpu.dma_semaphore, #tpu.memory_space<semaphore_mem>>)
      %add3A_336 = arith.constant 0 : i32
      %add3A_337 = arith.addi %mul3A_171, %add3A_336 : i32
      %mul3A_338 = arith.constant 128 : i32
      %mul3A_339 = arith.muli %add3A_337, %mul3A_338 : i32
      %dma_wait3A_340 = arith.constant 0 : i32
      %dma_wait3A_341 = arith.constant 0 : i32
      %dma_wait3A_342 = arith.constant 0 : i32
      %dma_wait3A_343 = arith.constant 0 : i32
      %dma_wait3A_344 = tpu.memref_slice %arg6[%dma_wait3A_340, %dma_wait3A_342, %dma_wait3A_343] : memref<8x100x128xf32, #tpu.memory_space<vmem>> -> memref<1x100x128xf32, #tpu.memory_space<vmem>>
      %dma_wait3A_345 = tpu.memref_squeeze %dma_wait3A_344 : memref<1x100x128xf32, #tpu.memory_space<vmem>> -> memref<100x128xf32, #tpu.memory_space<vmem>>
      %dma_wait3A_346 = tpu.memref_slice %arg5[%mul3A_339] : memref<16384xi32, #tpu.memory_space<vmem>> -> memref<100xi32, #tpu.memory_space<vmem>>
      %dma_wait3A_347 = arith.constant 0 : i32
      %dma_wait3A_348 = arith.constant 0 : i32
      %dma_wait3A_349 = tpu.memref_slice %arg3[%dma_wait3A_347, %dma_wait3A_348] : memref<100000x128xf32, #tpu.memory_space<hbm>> -> memref<100000x128xf32, #tpu.memory_space<hbm>>
      %dma_wait3A_350 = tpu.memref_slice %arg7[%dma_wait3A_341] : memref<8x!tpu.dma_semaphore, #tpu.memory_space<semaphore_mem>> -> memref<1x!tpu.dma_semaphore, #tpu.memory_space<semaphore_mem>>
      %dma_wait3A_351 = tpu.memref_squeeze %dma_wait3A_350 : memref<1x!tpu.dma_semaphore, #tpu.memory_space<semaphore_mem>> -> memref<!tpu.dma_semaphore, #tpu.memory_space<semaphore_mem>>
      tpu.wait_indirect_dma semaphore(%dma_wait3A_351 : memref<!tpu.dma_semaphore, #tpu.memory_space<semaphore_mem>>) src(%dma_wait3A_349 : memref<100000x128xf32, #tpu.memory_space<hbm>>) dst(%dma_wait3A_345 : memref<100x128xf32, #tpu.memory_space<vmem>>)
      %add3A_352 = arith.addi %mul3A_2, %mul3A_171 : i32
      %add3A_353 = arith.constant 0 : i32
      %add3A_354 = arith.addi %add3A_352, %add3A_353 : i32
      %dma_start3A_355 = arith.constant 0 : i32
      %dma_start3A_356 = arith.constant 0 : i32
      %dma_start3A_357 = arith.constant 0 : i32
      %dma_start3A_358 = arith.constant 0 : i32
      %dma_start3A_359 = tpu.memref_slice %arg6[%dma_start3A_355, %dma_start3A_357, %dma_start3A_358] : memref<8x100x128xf32, #tpu.memory_space<vmem>> -> memref<1x100x128xf32, #tpu.memory_space<vmem>>
      %dma_start3A_360 = tpu.memref_squeeze %dma_start3A_359 : memref<1x100x128xf32, #tpu.memory_space<vmem>> -> memref<100x128xf32, #tpu.memory_space<vmem>>
      %dma_start3A_361 = arith.constant 0 : i32
      %dma_start3A_362 = arith.constant 0 : i32
      %dma_start3A_363 = tpu.memref_slice %arg4[%add3A_354, %dma_start3A_361, %dma_start3A_362] : memref<4096x100x128xf32, #tpu.memory_space<hbm>> -> memref<1x100x128xf32, #tpu.memory_space<hbm>>
      %dma_start3A_364 = tpu.memref_squeeze %dma_start3A_363 : memref<1x100x128xf32, #tpu.memory_space<hbm>> -> memref<100x128xf32, #tpu.memory_space<hbm>>
      %dma_start3A_365 = tpu.memref_slice %arg8[%dma_start3A_356] : memref<8x!tpu.dma_semaphore, #tpu.memory_space<semaphore_mem>> -> memref<1x!tpu.dma_semaphore, #tpu.memory_space<semaphore_mem>>
      %dma_start3A_366 = tpu.memref_squeeze %dma_start3A_365 : memref<1x!tpu.dma_semaphore, #tpu.memory_space<semaphore_mem>> -> memref<!tpu.dma_semaphore, #tpu.memory_space<semaphore_mem>>
      %dma_start3A_367 = arith.constant 0 : i32
      %dma_start3A_368 = arith.constant 0 : i32
      %dma_start3A_369 = tpu.memref_slice %arg4[%add3A_354, %dma_start3A_367, %dma_start3A_368] : memref<4096x100x128xf32, #tpu.memory_space<hbm>> -> memref<1x100x128xf32, #tpu.memory_space<hbm>>
      %dma_start3A_370 = tpu.memref_squeeze %dma_start3A_369 : memref<1x100x128xf32, #tpu.memory_space<hbm>> -> memref<100x128xf32, #tpu.memory_space<hbm>>
      %dma_start3A_371 = arith.constant 0 : i32
      %dma_start3A_372 = arith.constant 0 : i32
      %dma_start3A_373 = tpu.memref_slice %arg6[%dma_start3A_355, %dma_start3A_371, %dma_start3A_372] : memref<8x100x128xf32, #tpu.memory_space<vmem>> -> memref<1x100x128xf32, #tpu.memory_space<vmem>>
      %dma_start3A_374 = tpu.memref_squeeze %dma_start3A_373 : memref<1x100x128xf32, #tpu.memory_space<vmem>> -> memref<100x128xf32, #tpu.memory_space<vmem>>
      tpu.enqueue_dma source(%dma_start3A_374 : memref<100x128xf32, #tpu.memory_space<vmem>>) target(%dma_start3A_370 : memref<100x128xf32, #tpu.memory_space<hbm>>) target_semaphore(%dma_start3A_366 : memref<!tpu.dma_semaphore, #tpu.memory_space<semaphore_mem>>)
      %add3A_375 = arith.constant 1 : i32
      %add3A_376 = arith.addi %mul3A_171, %add3A_375 : i32
      %mul3A_377 = arith.constant 128 : i32
      %mul3A_378 = arith.muli %add3A_376, %mul3A_377 : i32
      %dma_wait3A_379 = arith.constant 1 : i32
      %dma_wait3A_380 = arith.constant 1 : i32
      %dma_wait3A_381 = arith.constant 0 : i32
      %dma_wait3A_382 = arith.constant 0 : i32
      %dma_wait3A_383 = tpu.memref_slice %arg6[%dma_wait3A_379, %dma_wait3A_381, %dma_wait3A_382] : memref<8x100x128xf32, #tpu.memory_space<vmem>> -> memref<1x100x128xf32, #tpu.memory_space<vmem>>
      %dma_wait3A_384 = tpu.memref_squeeze %dma_wait3A_383 : memref<1x100x128xf32, #tpu.memory_space<vmem>> -> memref<100x128xf32, #tpu.memory_space<vmem>>
      %dma_wait3A_385 = tpu.memref_slice %arg5[%mul3A_378] : memref<16384xi32, #tpu.memory_space<vmem>> -> memref<100xi32, #tpu.memory_space<vmem>>
      %dma_wait3A_386 = arith.constant 0 : i32
      %dma_wait3A_387 = arith.constant 0 : i32
      %dma_wait3A_388 = tpu.memref_slice %arg3[%dma_wait3A_386, %dma_wait3A_387] : memref<100000x128xf32, #tpu.memory_space<hbm>> -> memref<100000x128xf32, #tpu.memory_space<hbm>>
      %dma_wait3A_389 = tpu.memref_slice %arg7[%dma_wait3A_380] : memref<8x!tpu.dma_semaphore, #tpu.memory_space<semaphore_mem>> -> memref<1x!tpu.dma_semaphore, #tpu.memory_space<semaphore_mem>>
      %dma_wait3A_390 = tpu.memref_squeeze %dma_wait3A_389 : memref<1x!tpu.dma_semaphore, #tpu.memory_space<semaphore_mem>> -> memref<!tpu.dma_semaphore, #tpu.memory_space<semaphore_mem>>
      tpu.wait_indirect_dma semaphore(%dma_wait3A_390 : memref<!tpu.dma_semaphore, #tpu.memory_space<semaphore_mem>>) src(%dma_wait3A_388 : memref<100000x128xf32, #tpu.memory_space<hbm>>) dst(%dma_wait3A_384 : memref<100x128xf32, #tpu.memory_space<vmem>>)
      %add3A_391 = arith.addi %mul3A_2, %mul3A_171 : i32
      %add3A_392 = arith.constant 1 : i32
      %add3A_393 = arith.addi %add3A_391, %add3A_392 : i32
      %dma_start3A_394 = arith.constant 1 : i32
      %dma_start3A_395 = arith.constant 1 : i32
      %dma_start3A_396 = arith.constant 0 : i32
      %dma_start3A_397 = arith.constant 0 : i32
      %dma_start3A_398 = tpu.memref_slice %arg6[%dma_start3A_394, %dma_start3A_396, %dma_start3A_397] : memref<8x100x128xf32, #tpu.memory_space<vmem>> -> memref<1x100x128xf32, #tpu.memory_space<vmem>>
      %dma_start3A_399 = tpu.memref_squeeze %dma_start3A_398 : memref<1x100x128xf32, #tpu.memory_space<vmem>> -> memref<100x128xf32, #tpu.memory_space<vmem>>
      %dma_start3A_400 = arith.constant 0 : i32
      %dma_start3A_401 = arith.constant 0 : i32
      %dma_start3A_402 = tpu.memref_slice %arg4[%add3A_393, %dma_start3A_400, %dma_start3A_401] : memref<4096x100x128xf32, #tpu.memory_space<hbm>> -> memref<1x100x128xf32, #tpu.memory_space<hbm>>
      %dma_start3A_403 = tpu.memref_squeeze %dma_start3A_402 : memref<1x100x128xf32, #tpu.memory_space<hbm>> -> memref<100x128xf32, #tpu.memory_space<hbm>>
      %dma_start3A_404 = tpu.memref_slice %arg8[%dma_start3A_395] : memref<8x!tpu.dma_semaphore, #tpu.memory_space<semaphore_mem>> -> memref<1x!tpu.dma_semaphore, #tpu.memory_space<semaphore_mem>>
      %dma_start3A_405 = tpu.memref_squeeze %dma_start3A_404 : memref<1x!tpu.dma_semaphore, #tpu.memory_space<semaphore_mem>> -> memref<!tpu.dma_semaphore, #tpu.memory_space<semaphore_mem>>
      %dma_start3A_406 = arith.constant 0 : i32
      %dma_start3A_407 = arith.constant 0 : i32
      %dma_start3A_408 = tpu.memref_slice %arg4[%add3A_393, %dma_start3A_406, %dma_start3A_407] : memref<4096x100x128xf32, #tpu.memory_space<hbm>> -> memref<1x100x128xf32, #tpu.memory_space<hbm>>
      %dma_start3A_409 = tpu.memref_squeeze %dma_start3A_408 : memref<1x100x128xf32, #tpu.memory_space<hbm>> -> memref<100x128xf32, #tpu.memory_space<hbm>>
      %dma_start3A_410 = arith.constant 0 : i32
      %dma_start3A_411 = arith.constant 0 : i32
      %dma_start3A_412 = tpu.memref_slice %arg6[%dma_start3A_394, %dma_start3A_410, %dma_start3A_411] : memref<8x100x128xf32, #tpu.memory_space<vmem>> -> memref<1x100x128xf32, #tpu.memory_space<vmem>>
      %dma_start3A_413 = tpu.memref_squeeze %dma_start3A_412 : memref<1x100x128xf32, #tpu.memory_space<vmem>> -> memref<100x128xf32, #tpu.memory_space<vmem>>
      tpu.enqueue_dma source(%dma_start3A_413 : memref<100x128xf32, #tpu.memory_space<vmem>>) target(%dma_start3A_409 : memref<100x128xf32, #tpu.memory_space<hbm>>) target_semaphore(%dma_start3A_405 : memref<!tpu.dma_semaphore, #tpu.memory_space<semaphore_mem>>)
      %add3A_414 = arith.constant 2 : i32
      %add3A_415 = arith.addi %mul3A_171, %add3A_414 : i32
      %mul3A_416 = arith.constant 128 : i32
      %mul3A_417 = arith.muli %add3A_415, %mul3A_416 : i32
      %dma_wait3A_418 = arith.constant 2 : i32
      %dma_wait3A_419 = arith.constant 2 : i32
      %dma_wait3A_420 = arith.constant 0 : i32
      %dma_wait3A_421 = arith.constant 0 : i32
      %dma_wait3A_422 = tpu.memref_slice %arg6[%dma_wait3A_418, %dma_wait3A_420, %dma_wait3A_421] : memref<8x100x128xf32, #tpu.memory_space<vmem>> -> memref<1x100x128xf32, #tpu.memory_space<vmem>>
      %dma_wait3A_423 = tpu.memref_squeeze %dma_wait3A_422 : memref<1x100x128xf32, #tpu.memory_space<vmem>> -> memref<100x128xf32, #tpu.memory_space<vmem>>
      %dma_wait3A_424 = tpu.memref_slice %arg5[%mul3A_417] : memref<16384xi32, #tpu.memory_space<vmem>> -> memref<100xi32, #tpu.memory_space<vmem>>
      %dma_wait3A_425 = arith.constant 0 : i32
      %dma_wait3A_426 = arith.constant 0 : i32
      %dma_wait3A_427 = tpu.memref_slice %arg3[%dma_wait3A_425, %dma_wait3A_426] : memref<100000x128xf32, #tpu.memory_space<hbm>> -> memref<100000x128xf32, #tpu.memory_space<hbm>>
      %dma_wait3A_428 = tpu.memref_slice %arg7[%dma_wait3A_419] : memref<8x!tpu.dma_semaphore, #tpu.memory_space<semaphore_mem>> -> memref<1x!tpu.dma_semaphore, #tpu.memory_space<semaphore_mem>>
      %dma_wait3A_429 = tpu.memref_squeeze %dma_wait3A_428 : memref<1x!tpu.dma_semaphore, #tpu.memory_space<semaphore_mem>> -> memref<!tpu.dma_semaphore, #tpu.memory_space<semaphore_mem>>
      tpu.wait_indirect_dma semaphore(%dma_wait3A_429 : memref<!tpu.dma_semaphore, #tpu.memory_space<semaphore_mem>>) src(%dma_wait3A_427 : memref<100000x128xf32, #tpu.memory_space<hbm>>) dst(%dma_wait3A_423 : memref<100x128xf32, #tpu.memory_space<vmem>>)
      %add3A_430 = arith.addi %mul3A_2, %mul3A_171 : i32
      %add3A_431 = arith.constant 2 : i32
      %add3A_432 = arith.addi %add3A_430, %add3A_431 : i32
      %dma_start3A_433 = arith.constant 2 : i32
      %dma_start3A_434 = arith.constant 2 : i32
      %dma_start3A_435 = arith.constant 0 : i32
      %dma_start3A_436 = arith.constant 0 : i32
      %dma_start3A_437 = tpu.memref_slice %arg6[%dma_start3A_433, %dma_start3A_435, %dma_start3A_436] : memref<8x100x128xf32, #tpu.memory_space<vmem>> -> memref<1x100x128xf32, #tpu.memory_space<vmem>>
      %dma_start3A_438 = tpu.memref_squeeze %dma_start3A_437 : memref<1x100x128xf32, #tpu.memory_space<vmem>> -> memref<100x128xf32, #tpu.memory_space<vmem>>
      %dma_start3A_439 = arith.constant 0 : i32
      %dma_start3A_440 = arith.constant 0 : i32
      %dma_start3A_441 = tpu.memref_slice %arg4[%add3A_432, %dma_start3A_439, %dma_start3A_440] : memref<4096x100x128xf32, #tpu.memory_space<hbm>> -> memref<1x100x128xf32, #tpu.memory_space<hbm>>
      %dma_start3A_442 = tpu.memref_squeeze %dma_start3A_441 : memref<1x100x128xf32, #tpu.memory_space<hbm>> -> memref<100x128xf32, #tpu.memory_space<hbm>>
      %dma_start3A_443 = tpu.memref_slice %arg8[%dma_start3A_434] : memref<8x!tpu.dma_semaphore, #tpu.memory_space<semaphore_mem>> -> memref<1x!tpu.dma_semaphore, #tpu.memory_space<semaphore_mem>>
      %dma_start3A_444 = tpu.memref_squeeze %dma_start3A_443 : memref<1x!tpu.dma_semaphore, #tpu.memory_space<semaphore_mem>> -> memref<!tpu.dma_semaphore, #tpu.memory_space<semaphore_mem>>
      %dma_start3A_445 = arith.constant 0 : i32
      %dma_start3A_446 = arith.constant 0 : i32
      %dma_start3A_447 = tpu.memref_slice %arg4[%add3A_432, %dma_start3A_445, %dma_start3A_446] : memref<4096x100x128xf32, #tpu.memory_space<hbm>> -> memref<1x100x128xf32, #tpu.memory_space<hbm>>
      %dma_start3A_448 = tpu.memref_squeeze %dma_start3A_447 : memref<1x100x128xf32, #tpu.memory_space<hbm>> -> memref<100x128xf32, #tpu.memory_space<hbm>>
      %dma_start3A_449 = arith.constant 0 : i32
      %dma_start3A_450 = arith.constant 0 : i32
      %dma_start3A_451 = tpu.memref_slice %arg6[%dma_start3A_433, %dma_start3A_449, %dma_start3A_450] : memref<8x100x128xf32, #tpu.memory_space<vmem>> -> memref<1x100x128xf32, #tpu.memory_space<vmem>>
      %dma_start3A_452 = tpu.memref_squeeze %dma_start3A_451 : memref<1x100x128xf32, #tpu.memory_space<vmem>> -> memref<100x128xf32, #tpu.memory_space<vmem>>
      tpu.enqueue_dma source(%dma_start3A_452 : memref<100x128xf32, #tpu.memory_space<vmem>>) target(%dma_start3A_448 : memref<100x128xf32, #tpu.memory_space<hbm>>) target_semaphore(%dma_start3A_444 : memref<!tpu.dma_semaphore, #tpu.memory_space<semaphore_mem>>)
      %add3A_453 = arith.constant 3 : i32
      %add3A_454 = arith.addi %mul3A_171, %add3A_453 : i32
      %mul3A_455 = arith.constant 128 : i32
      %mul3A_456 = arith.muli %add3A_454, %mul3A_455 : i32
      %dma_wait3A_457 = arith.constant 3 : i32
      %dma_wait3A_458 = arith.constant 3 : i32
      %dma_wait3A_459 = arith.constant 0 : i32
      %dma_wait3A_460 = arith.constant 0 : i32
      %dma_wait3A_461 = tpu.memref_slice %arg6[%dma_wait3A_457, %dma_wait3A_459, %dma_wait3A_460] : memref<8x100x128xf32, #tpu.memory_space<vmem>> -> memref<1x100x128xf32, #tpu.memory_space<vmem>>
      %dma_wait3A_462 = tpu.memref_squeeze %dma_wait3A_461 : memref<1x100x128xf32, #tpu.memory_space<vmem>> -> memref<100x128xf32, #tpu.memory_space<vmem>>
      %dma_wait3A_463 = tpu.memref_slice %arg5[%mul3A_456] : memref<16384xi32, #tpu.memory_space<vmem>> -> memref<100xi32, #tpu.memory_space<vmem>>
      %dma_wait3A_464 = arith.constant 0 : i32
      %dma_wait3A_465 = arith.constant 0 : i32
      %dma_wait3A_466 = tpu.memref_slice %arg3[%dma_wait3A_464, %dma_wait3A_465] : memref<100000x128xf32, #tpu.memory_space<hbm>> -> memref<100000x128xf32, #tpu.memory_space<hbm>>
      %dma_wait3A_467 = tpu.memref_slice %arg7[%dma_wait3A_458] : memref<8x!tpu.dma_semaphore, #tpu.memory_space<semaphore_mem>> -> memref<1x!tpu.dma_semaphore, #tpu.memory_space<semaphore_mem>>
      %dma_wait3A_468 = tpu.memref_squeeze %dma_wait3A_467 : memref<1x!tpu.dma_semaphore, #tpu.memory_space<semaphore_mem>> -> memref<!tpu.dma_semaphore, #tpu.memory_space<semaphore_mem>>
      tpu.wait_indirect_dma semaphore(%dma_wait3A_468 : memref<!tpu.dma_semaphore, #tpu.memory_space<semaphore_mem>>) src(%dma_wait3A_466 : memref<100000x128xf32, #tpu.memory_space<hbm>>) dst(%dma_wait3A_462 : memref<100x128xf32, #tpu.memory_space<vmem>>)
      %add3A_469 = arith.addi %mul3A_2, %mul3A_171 : i32
      %add3A_470 = arith.constant 3 : i32
      %add3A_471 = arith.addi %add3A_469, %add3A_470 : i32
      %dma_start3A_472 = arith.constant 3 : i32
      %dma_start3A_473 = arith.constant 3 : i32
      %dma_start3A_474 = arith.constant 0 : i32
      %dma_start3A_475 = arith.constant 0 : i32
      %dma_start3A_476 = tpu.memref_slice %arg6[%dma_start3A_472, %dma_start3A_474, %dma_start3A_475] : memref<8x100x128xf32, #tpu.memory_space<vmem>> -> memref<1x100x128xf32, #tpu.memory_space<vmem>>
      %dma_start3A_477 = tpu.memref_squeeze %dma_start3A_476 : memref<1x100x128xf32, #tpu.memory_space<vmem>> -> memref<100x128xf32, #tpu.memory_space<vmem>>
      %dma_start3A_478 = arith.constant 0 : i32
      %dma_start3A_479 = arith.constant 0 : i32
      %dma_start3A_480 = tpu.memref_slice %arg4[%add3A_471, %dma_start3A_478, %dma_start3A_479] : memref<4096x100x128xf32, #tpu.memory_space<hbm>> -> memref<1x100x128xf32, #tpu.memory_space<hbm>>
      %dma_start3A_481 = tpu.memref_squeeze %dma_start3A_480 : memref<1x100x128xf32, #tpu.memory_space<hbm>> -> memref<100x128xf32, #tpu.memory_space<hbm>>
      %dma_start3A_482 = tpu.memref_slice %arg8[%dma_start3A_473] : memref<8x!tpu.dma_semaphore, #tpu.memory_space<semaphore_mem>> -> memref<1x!tpu.dma_semaphore, #tpu.memory_space<semaphore_mem>>
      %dma_start3A_483 = tpu.memref_squeeze %dma_start3A_482 : memref<1x!tpu.dma_semaphore, #tpu.memory_space<semaphore_mem>> -> memref<!tpu.dma_semaphore, #tpu.memory_space<semaphore_mem>>
      %dma_start3A_484 = arith.constant 0 : i32
      %dma_start3A_485 = arith.constant 0 : i32
      %dma_start3A_486 = tpu.memref_slice %arg4[%add3A_471, %dma_start3A_484, %dma_start3A_485] : memref<4096x100x128xf32, #tpu.memory_space<hbm>> -> memref<1x100x128xf32, #tpu.memory_space<hbm>>
      %dma_start3A_487 = tpu.memref_squeeze %dma_start3A_486 : memref<1x100x128xf32, #tpu.memory_space<hbm>> -> memref<100x128xf32, #tpu.memory_space<hbm>>
      %dma_start3A_488 = arith.constant 0 : i32
      %dma_start3A_489 = arith.constant 0 : i32
      %dma_start3A_490 = tpu.memref_slice %arg6[%dma_start3A_472, %dma_start3A_488, %dma_start3A_489] : memref<8x100x128xf32, #tpu.memory_space<vmem>> -> memref<1x100x128xf32, #tpu.memory_space<vmem>>
      %dma_start3A_491 = tpu.memref_squeeze %dma_start3A_490 : memref<1x100x128xf32, #tpu.memory_space<vmem>> -> memref<100x128xf32, #tpu.memory_space<vmem>>
      tpu.enqueue_dma source(%dma_start3A_491 : memref<100x128xf32, #tpu.memory_space<vmem>>) target(%dma_start3A_487 : memref<100x128xf32, #tpu.memory_space<hbm>>) target_semaphore(%dma_start3A_483 : memref<!tpu.dma_semaphore, #tpu.memory_space<semaphore_mem>>)
      %add3A_492 = arith.constant 4 : i32
      %add3A_493 = arith.addi %mul3A_171, %add3A_492 : i32
      %mul3A_494 = arith.constant 128 : i32
      %mul3A_495 = arith.muli %add3A_493, %mul3A_494 : i32
      %dma_wait3A_496 = arith.constant 4 : i32
      %dma_wait3A_497 = arith.constant 4 : i32
      %dma_wait3A_498 = arith.constant 0 : i32
      %dma_wait3A_499 = arith.constant 0 : i32
      %dma_wait3A_500 = tpu.memref_slice %arg6[%dma_wait3A_496, %dma_wait3A_498, %dma_wait3A_499] : memref<8x100x128xf32, #tpu.memory_space<vmem>> -> memref<1x100x128xf32, #tpu.memory_space<vmem>>
      %dma_wait3A_501 = tpu.memref_squeeze %dma_wait3A_500 : memref<1x100x128xf32, #tpu.memory_space<vmem>> -> memref<100x128xf32, #tpu.memory_space<vmem>>
      %dma_wait3A_502 = tpu.memref_slice %arg5[%mul3A_495] : memref<16384xi32, #tpu.memory_space<vmem>> -> memref<100xi32, #tpu.memory_space<vmem>>
      %dma_wait3A_503 = arith.constant 0 : i32
      %dma_wait3A_504 = arith.constant 0 : i32
      %dma_wait3A_505 = tpu.memref_slice %arg3[%dma_wait3A_503, %dma_wait3A_504] : memref<100000x128xf32, #tpu.memory_space<hbm>> -> memref<100000x128xf32, #tpu.memory_space<hbm>>
      %dma_wait3A_506 = tpu.memref_slice %arg7[%dma_wait3A_497] : memref<8x!tpu.dma_semaphore, #tpu.memory_space<semaphore_mem>> -> memref<1x!tpu.dma_semaphore, #tpu.memory_space<semaphore_mem>>
      %dma_wait3A_507 = tpu.memref_squeeze %dma_wait3A_506 : memref<1x!tpu.dma_semaphore, #tpu.memory_space<semaphore_mem>> -> memref<!tpu.dma_semaphore, #tpu.memory_space<semaphore_mem>>
      tpu.wait_indirect_dma semaphore(%dma_wait3A_507 : memref<!tpu.dma_semaphore, #tpu.memory_space<semaphore_mem>>) src(%dma_wait3A_505 : memref<100000x128xf32, #tpu.memory_space<hbm>>) dst(%dma_wait3A_501 : memref<100x128xf32, #tpu.memory_space<vmem>>)
      %add3A_508 = arith.addi %mul3A_2, %mul3A_171 : i32
      %add3A_509 = arith.constant 4 : i32
      %add3A_510 = arith.addi %add3A_508, %add3A_509 : i32
      %dma_start3A_511 = arith.constant 4 : i32
      %dma_start3A_512 = arith.constant 4 : i32
      %dma_start3A_513 = arith.constant 0 : i32
      %dma_start3A_514 = arith.constant 0 : i32
      %dma_start3A_515 = tpu.memref_slice %arg6[%dma_start3A_511, %dma_start3A_513, %dma_start3A_514] : memref<8x100x128xf32, #tpu.memory_space<vmem>> -> memref<1x100x128xf32, #tpu.memory_space<vmem>>
      %dma_start3A_516 = tpu.memref_squeeze %dma_start3A_515 : memref<1x100x128xf32, #tpu.memory_space<vmem>> -> memref<100x128xf32, #tpu.memory_space<vmem>>
      %dma_start3A_517 = arith.constant 0 : i32
      %dma_start3A_518 = arith.constant 0 : i32
      %dma_start3A_519 = tpu.memref_slice %arg4[%add3A_510, %dma_start3A_517, %dma_start3A_518] : memref<4096x100x128xf32, #tpu.memory_space<hbm>> -> memref<1x100x128xf32, #tpu.memory_space<hbm>>
      %dma_start3A_520 = tpu.memref_squeeze %dma_start3A_519 : memref<1x100x128xf32, #tpu.memory_space<hbm>> -> memref<100x128xf32, #tpu.memory_space<hbm>>
      %dma_start3A_521 = tpu.memref_slice %arg8[%dma_start3A_512] : memref<8x!tpu.dma_semaphore, #tpu.memory_space<semaphore_mem>> -> memref<1x!tpu.dma_semaphore, #tpu.memory_space<semaphore_mem>>
      %dma_start3A_522 = tpu.memref_squeeze %dma_start3A_521 : memref<1x!tpu.dma_semaphore, #tpu.memory_space<semaphore_mem>> -> memref<!tpu.dma_semaphore, #tpu.memory_space<semaphore_mem>>
      %dma_start3A_523 = arith.constant 0 : i32
      %dma_start3A_524 = arith.constant 0 : i32
      %dma_start3A_525 = tpu.memref_slice %arg4[%add3A_510, %dma_start3A_523, %dma_start3A_524] : memref<4096x100x128xf32, #tpu.memory_space<hbm>> -> memref<1x100x128xf32, #tpu.memory_space<hbm>>
      %dma_start3A_526 = tpu.memref_squeeze %dma_start3A_525 : memref<1x100x128xf32, #tpu.memory_space<hbm>> -> memref<100x128xf32, #tpu.memory_space<hbm>>
      %dma_start3A_527 = arith.constant 0 : i32
      %dma_start3A_528 = arith.constant 0 : i32
      %dma_start3A_529 = tpu.memref_slice %arg6[%dma_start3A_511, %dma_start3A_527, %dma_start3A_528] : memref<8x100x128xf32, #tpu.memory_space<vmem>> -> memref<1x100x128xf32, #tpu.memory_space<vmem>>
      %dma_start3A_530 = tpu.memref_squeeze %dma_start3A_529 : memref<1x100x128xf32, #tpu.memory_space<vmem>> -> memref<100x128xf32, #tpu.memory_space<vmem>>
      tpu.enqueue_dma source(%dma_start3A_530 : memref<100x128xf32, #tpu.memory_space<vmem>>) target(%dma_start3A_526 : memref<100x128xf32, #tpu.memory_space<hbm>>) target_semaphore(%dma_start3A_522 : memref<!tpu.dma_semaphore, #tpu.memory_space<semaphore_mem>>)
      %add3A_531 = arith.constant 5 : i32
      %add3A_532 = arith.addi %mul3A_171, %add3A_531 : i32
      %mul3A_533 = arith.constant 128 : i32
      %mul3A_534 = arith.muli %add3A_532, %mul3A_533 : i32
      %dma_wait3A_535 = arith.constant 5 : i32
      %dma_wait3A_536 = arith.constant 5 : i32
      %dma_wait3A_537 = arith.constant 0 : i32
      %dma_wait3A_538 = arith.constant 0 : i32
      %dma_wait3A_539 = tpu.memref_slice %arg6[%dma_wait3A_535, %dma_wait3A_537, %dma_wait3A_538] : memref<8x100x128xf32, #tpu.memory_space<vmem>> -> memref<1x100x128xf32, #tpu.memory_space<vmem>>
      %dma_wait3A_540 = tpu.memref_squeeze %dma_wait3A_539 : memref<1x100x128xf32, #tpu.memory_space<vmem>> -> memref<100x128xf32, #tpu.memory_space<vmem>>
      %dma_wait3A_541 = tpu.memref_slice %arg5[%mul3A_534] : memref<16384xi32, #tpu.memory_space<vmem>> -> memref<100xi32, #tpu.memory_space<vmem>>
      %dma_wait3A_542 = arith.constant 0 : i32
      %dma_wait3A_543 = arith.constant 0 : i32
      %dma_wait3A_544 = tpu.memref_slice %arg3[%dma_wait3A_542, %dma_wait3A_543] : memref<100000x128xf32, #tpu.memory_space<hbm>> -> memref<100000x128xf32, #tpu.memory_space<hbm>>
      %dma_wait3A_545 = tpu.memref_slice %arg7[%dma_wait3A_536] : memref<8x!tpu.dma_semaphore, #tpu.memory_space<semaphore_mem>> -> memref<1x!tpu.dma_semaphore, #tpu.memory_space<semaphore_mem>>
      %dma_wait3A_546 = tpu.memref_squeeze %dma_wait3A_545 : memref<1x!tpu.dma_semaphore, #tpu.memory_space<semaphore_mem>> -> memref<!tpu.dma_semaphore, #tpu.memory_space<semaphore_mem>>
      tpu.wait_indirect_dma semaphore(%dma_wait3A_546 : memref<!tpu.dma_semaphore, #tpu.memory_space<semaphore_mem>>) src(%dma_wait3A_544 : memref<100000x128xf32, #tpu.memory_space<hbm>>) dst(%dma_wait3A_540 : memref<100x128xf32, #tpu.memory_space<vmem>>)
      %add3A_547 = arith.addi %mul3A_2, %mul3A_171 : i32
      %add3A_548 = arith.constant 5 : i32
      %add3A_549 = arith.addi %add3A_547, %add3A_548 : i32
      %dma_start3A_550 = arith.constant 5 : i32
      %dma_start3A_551 = arith.constant 5 : i32
      %dma_start3A_552 = arith.constant 0 : i32
      %dma_start3A_553 = arith.constant 0 : i32
      %dma_start3A_554 = tpu.memref_slice %arg6[%dma_start3A_550, %dma_start3A_552, %dma_start3A_553] : memref<8x100x128xf32, #tpu.memory_space<vmem>> -> memref<1x100x128xf32, #tpu.memory_space<vmem>>
      %dma_start3A_555 = tpu.memref_squeeze %dma_start3A_554 : memref<1x100x128xf32, #tpu.memory_space<vmem>> -> memref<100x128xf32, #tpu.memory_space<vmem>>
      %dma_start3A_556 = arith.constant 0 : i32
      %dma_start3A_557 = arith.constant 0 : i32
      %dma_start3A_558 = tpu.memref_slice %arg4[%add3A_549, %dma_start3A_556, %dma_start3A_557] : memref<4096x100x128xf32, #tpu.memory_space<hbm>> -> memref<1x100x128xf32, #tpu.memory_space<hbm>>
      %dma_start3A_559 = tpu.memref_squeeze %dma_start3A_558 : memref<1x100x128xf32, #tpu.memory_space<hbm>> -> memref<100x128xf32, #tpu.memory_space<hbm>>
      %dma_start3A_560 = tpu.memref_slice %arg8[%dma_start3A_551] : memref<8x!tpu.dma_semaphore, #tpu.memory_space<semaphore_mem>> -> memref<1x!tpu.dma_semaphore, #tpu.memory_space<semaphore_mem>>
      %dma_start3A_561 = tpu.memref_squeeze %dma_start3A_560 : memref<1x!tpu.dma_semaphore, #tpu.memory_space<semaphore_mem>> -> memref<!tpu.dma_semaphore, #tpu.memory_space<semaphore_mem>>
      %dma_start3A_562 = arith.constant 0 : i32
      %dma_start3A_563 = arith.constant 0 : i32
      %dma_start3A_564 = tpu.memref_slice %arg4[%add3A_549, %dma_start3A_562, %dma_start3A_563] : memref<4096x100x128xf32, #tpu.memory_space<hbm>> -> memref<1x100x128xf32, #tpu.memory_space<hbm>>
      %dma_start3A_565 = tpu.memref_squeeze %dma_start3A_564 : memref<1x100x128xf32, #tpu.memory_space<hbm>> -> memref<100x128xf32, #tpu.memory_space<hbm>>
      %dma_start3A_566 = arith.constant 0 : i32
      %dma_start3A_567 = arith.constant 0 : i32
      %dma_start3A_568 = tpu.memref_slice %arg6[%dma_start3A_550, %dma_start3A_566, %dma_start3A_567] : memref<8x100x128xf32, #tpu.memory_space<vmem>> -> memref<1x100x128xf32, #tpu.memory_space<vmem>>
      %dma_start3A_569 = tpu.memref_squeeze %dma_start3A_568 : memref<1x100x128xf32, #tpu.memory_space<vmem>> -> memref<100x128xf32, #tpu.memory_space<vmem>>
      tpu.enqueue_dma source(%dma_start3A_569 : memref<100x128xf32, #tpu.memory_space<vmem>>) target(%dma_start3A_565 : memref<100x128xf32, #tpu.memory_space<hbm>>) target_semaphore(%dma_start3A_561 : memref<!tpu.dma_semaphore, #tpu.memory_space<semaphore_mem>>)
      %add3A_570 = arith.constant 6 : i32
      %add3A_571 = arith.addi %mul3A_171, %add3A_570 : i32
      %mul3A_572 = arith.constant 128 : i32
      %mul3A_573 = arith.muli %add3A_571, %mul3A_572 : i32
      %dma_wait3A_574 = arith.constant 6 : i32
      %dma_wait3A_575 = arith.constant 6 : i32
      %dma_wait3A_576 = arith.constant 0 : i32
      %dma_wait3A_577 = arith.constant 0 : i32
      %dma_wait3A_578 = tpu.memref_slice %arg6[%dma_wait3A_574, %dma_wait3A_576, %dma_wait3A_577] : memref<8x100x128xf32, #tpu.memory_space<vmem>> -> memref<1x100x128xf32, #tpu.memory_space<vmem>>
      %dma_wait3A_579 = tpu.memref_squeeze %dma_wait3A_578 : memref<1x100x128xf32, #tpu.memory_space<vmem>> -> memref<100x128xf32, #tpu.memory_space<vmem>>
      %dma_wait3A_580 = tpu.memref_slice %arg5[%mul3A_573] : memref<16384xi32, #tpu.memory_space<vmem>> -> memref<100xi32, #tpu.memory_space<vmem>>
      %dma_wait3A_581 = arith.constant 0 : i32
      %dma_wait3A_582 = arith.constant 0 : i32
      %dma_wait3A_583 = tpu.memref_slice %arg3[%dma_wait3A_581, %dma_wait3A_582] : memref<100000x128xf32, #tpu.memory_space<hbm>> -> memref<100000x128xf32, #tpu.memory_space<hbm>>
      %dma_wait3A_584 = tpu.memref_slice %arg7[%dma_wait3A_575] : memref<8x!tpu.dma_semaphore, #tpu.memory_space<semaphore_mem>> -> memref<1x!tpu.dma_semaphore, #tpu.memory_space<semaphore_mem>>
      %dma_wait3A_585 = tpu.memref_squeeze %dma_wait3A_584 : memref<1x!tpu.dma_semaphore, #tpu.memory_space<semaphore_mem>> -> memref<!tpu.dma_semaphore, #tpu.memory_space<semaphore_mem>>
      tpu.wait_indirect_dma semaphore(%dma_wait3A_585 : memref<!tpu.dma_semaphore, #tpu.memory_space<semaphore_mem>>) src(%dma_wait3A_583 : memref<100000x128xf32, #tpu.memory_space<hbm>>) dst(%dma_wait3A_579 : memref<100x128xf32, #tpu.memory_space<vmem>>)
      %add3A_586 = arith.addi %mul3A_2, %mul3A_171 : i32
      %add3A_587 = arith.constant 6 : i32
      %add3A_588 = arith.addi %add3A_586, %add3A_587 : i32
      %dma_start3A_589 = arith.constant 6 : i32
      %dma_start3A_590 = arith.constant 6 : i32
      %dma_start3A_591 = arith.constant 0 : i32
      %dma_start3A_592 = arith.constant 0 : i32
      %dma_start3A_593 = tpu.memref_slice %arg6[%dma_start3A_589, %dma_start3A_591, %dma_start3A_592] : memref<8x100x128xf32, #tpu.memory_space<vmem>> -> memref<1x100x128xf32, #tpu.memory_space<vmem>>
      %dma_start3A_594 = tpu.memref_squeeze %dma_start3A_593 : memref<1x100x128xf32, #tpu.memory_space<vmem>> -> memref<100x128xf32, #tpu.memory_space<vmem>>
      %dma_start3A_595 = arith.constant 0 : i32
      %dma_start3A_596 = arith.constant 0 : i32
      %dma_start3A_597 = tpu.memref_slice %arg4[%add3A_588, %dma_start3A_595, %dma_start3A_596] : memref<4096x100x128xf32, #tpu.memory_space<hbm>> -> memref<1x100x128xf32, #tpu.memory_space<hbm>>
      %dma_start3A_598 = tpu.memref_squeeze %dma_start3A_597 : memref<1x100x128xf32, #tpu.memory_space<hbm>> -> memref<100x128xf32, #tpu.memory_space<hbm>>
      %dma_start3A_599 = tpu.memref_slice %arg8[%dma_start3A_590] : memref<8x!tpu.dma_semaphore, #tpu.memory_space<semaphore_mem>> -> memref<1x!tpu.dma_semaphore, #tpu.memory_space<semaphore_mem>>
      %dma_start3A_600 = tpu.memref_squeeze %dma_start3A_599 : memref<1x!tpu.dma_semaphore, #tpu.memory_space<semaphore_mem>> -> memref<!tpu.dma_semaphore, #tpu.memory_space<semaphore_mem>>
      %dma_start3A_601 = arith.constant 0 : i32
      %dma_start3A_602 = arith.constant 0 : i32
      %dma_start3A_603 = tpu.memref_slice %arg4[%add3A_588, %dma_start3A_601, %dma_start3A_602] : memref<4096x100x128xf32, #tpu.memory_space<hbm>> -> memref<1x100x128xf32, #tpu.memory_space<hbm>>
      %dma_start3A_604 = tpu.memref_squeeze %dma_start3A_603 : memref<1x100x128xf32, #tpu.memory_space<hbm>> -> memref<100x128xf32, #tpu.memory_space<hbm>>
      %dma_start3A_605 = arith.constant 0 : i32
      %dma_start3A_606 = arith.constant 0 : i32
      %dma_start3A_607 = tpu.memref_slice %arg6[%dma_start3A_589, %dma_start3A_605, %dma_start3A_606] : memref<8x100x128xf32, #tpu.memory_space<vmem>> -> memref<1x100x128xf32, #tpu.memory_space<vmem>>
      %dma_start3A_608 = tpu.memref_squeeze %dma_start3A_607 : memref<1x100x128xf32, #tpu.memory_space<vmem>> -> memref<100x128xf32, #tpu.memory_space<vmem>>
      tpu.enqueue_dma source(%dma_start3A_608 : memref<100x128xf32, #tpu.memory_space<vmem>>) target(%dma_start3A_604 : memref<100x128xf32, #tpu.memory_space<hbm>>) target_semaphore(%dma_start3A_600 : memref<!tpu.dma_semaphore, #tpu.memory_space<semaphore_mem>>)
      %add3A_609 = arith.constant 7 : i32
      %add3A_610 = arith.addi %mul3A_171, %add3A_609 : i32
      %mul3A_611 = arith.constant 128 : i32
      %mul3A_612 = arith.muli %add3A_610, %mul3A_611 : i32
      %dma_wait3A_613 = arith.constant 7 : i32
      %dma_wait3A_614 = arith.constant 7 : i32
      %dma_wait3A_615 = arith.constant 0 : i32
      %dma_wait3A_616 = arith.constant 0 : i32
      %dma_wait3A_617 = tpu.memref_slice %arg6[%dma_wait3A_613, %dma_wait3A_615, %dma_wait3A_616] : memref<8x100x128xf32, #tpu.memory_space<vmem>> -> memref<1x100x128xf32, #tpu.memory_space<vmem>>
      %dma_wait3A_618 = tpu.memref_squeeze %dma_wait3A_617 : memref<1x100x128xf32, #tpu.memory_space<vmem>> -> memref<100x128xf32, #tpu.memory_space<vmem>>
      %dma_wait3A_619 = tpu.memref_slice %arg5[%mul3A_612] : memref<16384xi32, #tpu.memory_space<vmem>> -> memref<100xi32, #tpu.memory_space<vmem>>
      %dma_wait3A_620 = arith.constant 0 : i32
      %dma_wait3A_621 = arith.constant 0 : i32
      %dma_wait3A_622 = tpu.memref_slice %arg3[%dma_wait3A_620, %dma_wait3A_621] : memref<100000x128xf32, #tpu.memory_space<hbm>> -> memref<100000x128xf32, #tpu.memory_space<hbm>>
      %dma_wait3A_623 = tpu.memref_slice %arg7[%dma_wait3A_614] : memref<8x!tpu.dma_semaphore, #tpu.memory_space<semaphore_mem>> -> memref<1x!tpu.dma_semaphore, #tpu.memory_space<semaphore_mem>>
      %dma_wait3A_624 = tpu.memref_squeeze %dma_wait3A_623 : memref<1x!tpu.dma_semaphore, #tpu.memory_space<semaphore_mem>> -> memref<!tpu.dma_semaphore, #tpu.memory_space<semaphore_mem>>
      tpu.wait_indirect_dma semaphore(%dma_wait3A_624 : memref<!tpu.dma_semaphore, #tpu.memory_space<semaphore_mem>>) src(%dma_wait3A_622 : memref<100000x128xf32, #tpu.memory_space<hbm>>) dst(%dma_wait3A_618 : memref<100x128xf32, #tpu.memory_space<vmem>>)
      %add3A_625 = arith.addi %mul3A_2, %mul3A_171 : i32
      %add3A_626 = arith.constant 7 : i32
      %add3A_627 = arith.addi %add3A_625, %add3A_626 : i32
      %dma_start3A_628 = arith.constant 7 : i32
      %dma_start3A_629 = arith.constant 7 : i32
      %dma_start3A_630 = arith.constant 0 : i32
      %dma_start3A_631 = arith.constant 0 : i32
      %dma_start3A_632 = tpu.memref_slice %arg6[%dma_start3A_628, %dma_start3A_630, %dma_start3A_631] : memref<8x100x128xf32, #tpu.memory_space<vmem>> -> memref<1x100x128xf32, #tpu.memory_space<vmem>>
      %dma_start3A_633 = tpu.memref_squeeze %dma_start3A_632 : memref<1x100x128xf32, #tpu.memory_space<vmem>> -> memref<100x128xf32, #tpu.memory_space<vmem>>
      %dma_start3A_634 = arith.constant 0 : i32
      %dma_start3A_635 = arith.constant 0 : i32
      %dma_start3A_636 = tpu.memref_slice %arg4[%add3A_627, %dma_start3A_634, %dma_start3A_635] : memref<4096x100x128xf32, #tpu.memory_space<hbm>> -> memref<1x100x128xf32, #tpu.memory_space<hbm>>
      %dma_start3A_637 = tpu.memref_squeeze %dma_start3A_636 : memref<1x100x128xf32, #tpu.memory_space<hbm>> -> memref<100x128xf32, #tpu.memory_space<hbm>>
      %dma_start3A_638 = tpu.memref_slice %arg8[%dma_start3A_629] : memref<8x!tpu.dma_semaphore, #tpu.memory_space<semaphore_mem>> -> memref<1x!tpu.dma_semaphore, #tpu.memory_space<semaphore_mem>>
      %dma_start3A_639 = tpu.memref_squeeze %dma_start3A_638 : memref<1x!tpu.dma_semaphore, #tpu.memory_space<semaphore_mem>> -> memref<!tpu.dma_semaphore, #tpu.memory_space<semaphore_mem>>
      %dma_start3A_640 = arith.constant 0 : i32
      %dma_start3A_641 = arith.constant 0 : i32
      %dma_start3A_642 = tpu.memref_slice %arg4[%add3A_627, %dma_start3A_640, %dma_start3A_641] : memref<4096x100x128xf32, #tpu.memory_space<hbm>> -> memref<1x100x128xf32, #tpu.memory_space<hbm>>
      %dma_start3A_643 = tpu.memref_squeeze %dma_start3A_642 : memref<1x100x128xf32, #tpu.memory_space<hbm>> -> memref<100x128xf32, #tpu.memory_space<hbm>>
      %dma_start3A_644 = arith.constant 0 : i32
      %dma_start3A_645 = arith.constant 0 : i32
      %dma_start3A_646 = tpu.memref_slice %arg6[%dma_start3A_628, %dma_start3A_644, %dma_start3A_645] : memref<8x100x128xf32, #tpu.memory_space<vmem>> -> memref<1x100x128xf32, #tpu.memory_space<vmem>>
      %dma_start3A_647 = tpu.memref_squeeze %dma_start3A_646 : memref<1x100x128xf32, #tpu.memory_space<vmem>> -> memref<100x128xf32, #tpu.memory_space<vmem>>
      tpu.enqueue_dma source(%dma_start3A_647 : memref<100x128xf32, #tpu.memory_space<vmem>>) target(%dma_start3A_643 : memref<100x128xf32, #tpu.memory_space<hbm>>) target_semaphore(%dma_start3A_639 : memref<!tpu.dma_semaphore, #tpu.memory_space<semaphore_mem>>)
    }
    %scan3A_9 = arith.constant 16 : i32
    %dma_wait3A = arith.constant 0 : i32
    %dma_wait3A_10 = arith.constant 0 : i32
    %dma_wait3A_11 = arith.constant 0 : i32
    %dma_wait3A_12 = arith.constant 0 : i32
    %dma_wait3A_13 = tpu.memref_slice %arg6[%dma_wait3A, %dma_wait3A_11, %dma_wait3A_12] : memref<8x100x128xf32, #tpu.memory_space<vmem>> -> memref<1x100x128xf32, #tpu.memory_space<vmem>>
    %dma_wait3A_14 = tpu.memref_squeeze %dma_wait3A_13 : memref<1x100x128xf32, #tpu.memory_space<vmem>> -> memref<100x128xf32, #tpu.memory_space<vmem>>
    %dma_wait3A_15 = arith.constant 0 : i32
    %dma_wait3A_16 = arith.constant 0 : i32
    %dma_wait3A_17 = tpu.memref_slice %arg4[%mul3A_2, %dma_wait3A_15, %dma_wait3A_16] : memref<4096x100x128xf32, #tpu.memory_space<hbm>> -> memref<1x100x128xf32, #tpu.memory_space<hbm>>
    %dma_wait3A_18 = tpu.memref_squeeze %dma_wait3A_17 : memref<1x100x128xf32, #tpu.memory_space<hbm>> -> memref<100x128xf32, #tpu.memory_space<hbm>>
    %dma_wait3A_19 = tpu.memref_slice %arg8[%dma_wait3A_10] : memref<8x!tpu.dma_semaphore, #tpu.memory_space<semaphore_mem>> -> memref<1x!tpu.dma_semaphore, #tpu.memory_space<semaphore_mem>>
    %dma_wait3A_20 = tpu.memref_squeeze %dma_wait3A_19 : memref<1x!tpu.dma_semaphore, #tpu.memory_space<semaphore_mem>> -> memref<!tpu.dma_semaphore, #tpu.memory_space<semaphore_mem>>
    %dma_wait3A_21 = arith.constant 0 : i32
    %dma_wait3A_22 = arith.constant 0 : i32
    %dma_wait3A_23 = tpu.memref_slice %arg4[%mul3A_2, %dma_wait3A_21, %dma_wait3A_22] : memref<4096x100x128xf32, #tpu.memory_space<hbm>> -> memref<1x100x128xf32, #tpu.memory_space<hbm>>
    %dma_wait3A_24 = tpu.memref_squeeze %dma_wait3A_23 : memref<1x100x128xf32, #tpu.memory_space<hbm>> -> memref<100x128xf32, #tpu.memory_space<hbm>>
    %dma_wait3A_25 = arith.constant 0 : i32
    %dma_wait3A_26 = arith.constant 0 : i32
    %dma_wait3A_27 = tpu.memref_slice %arg6[%dma_wait3A, %dma_wait3A_25, %dma_wait3A_26] : memref<8x100x128xf32, #tpu.memory_space<vmem>> -> memref<1x100x128xf32, #tpu.memory_space<vmem>>
    %dma_wait3A_28 = tpu.memref_squeeze %dma_wait3A_27 : memref<1x100x128xf32, #tpu.memory_space<vmem>> -> memref<100x128xf32, #tpu.memory_space<vmem>>
    tpu.wait_dma2 semaphore(%dma_wait3A_20 : memref<!tpu.dma_semaphore, #tpu.memory_space<semaphore_mem>>) src(%dma_wait3A_28 : memref<100x128xf32, #tpu.memory_space<vmem>>) dst(%dma_wait3A_24 : memref<100x128xf32, #tpu.memory_space<hbm>>)
    %dma_wait3A_29 = arith.constant 1 : i32
    %dma_wait3A_30 = arith.constant 1 : i32
    %dma_wait3A_31 = arith.constant 0 : i32
    %dma_wait3A_32 = arith.constant 0 : i32
    %dma_wait3A_33 = tpu.memref_slice %arg6[%dma_wait3A_29, %dma_wait3A_31, %dma_wait3A_32] : memref<8x100x128xf32, #tpu.memory_space<vmem>> -> memref<1x100x128xf32, #tpu.memory_space<vmem>>
    %dma_wait3A_34 = tpu.memref_squeeze %dma_wait3A_33 : memref<1x100x128xf32, #tpu.memory_space<vmem>> -> memref<100x128xf32, #tpu.memory_space<vmem>>
    %dma_wait3A_35 = arith.constant 0 : i32
    %dma_wait3A_36 = arith.constant 0 : i32
    %dma_wait3A_37 = tpu.memref_slice %arg4[%mul3A_2, %dma_wait3A_35, %dma_wait3A_36] : memref<4096x100x128xf32, #tpu.memory_space<hbm>> -> memref<1x100x128xf32, #tpu.memory_space<hbm>>
    %dma_wait3A_38 = tpu.memref_squeeze %dma_wait3A_37 : memref<1x100x128xf32, #tpu.memory_space<hbm>> -> memref<100x128xf32, #tpu.memory_space<hbm>>
    %dma_wait3A_39 = tpu.memref_slice %arg8[%dma_wait3A_30] : memref<8x!tpu.dma_semaphore, #tpu.memory_space<semaphore_mem>> -> memref<1x!tpu.dma_semaphore, #tpu.memory_space<semaphore_mem>>
    %dma_wait3A_40 = tpu.memref_squeeze %dma_wait3A_39 : memref<1x!tpu.dma_semaphore, #tpu.memory_space<semaphore_mem>> -> memref<!tpu.dma_semaphore, #tpu.memory_space<semaphore_mem>>
    %dma_wait3A_41 = arith.constant 0 : i32
    %dma_wait3A_42 = arith.constant 0 : i32
    %dma_wait3A_43 = tpu.memref_slice %arg4[%mul3A_2, %dma_wait3A_41, %dma_wait3A_42] : memref<4096x100x128xf32, #tpu.memory_space<hbm>> -> memref<1x100x128xf32, #tpu.memory_space<hbm>>
    %dma_wait3A_44 = tpu.memref_squeeze %dma_wait3A_43 : memref<1x100x128xf32, #tpu.memory_space<hbm>> -> memref<100x128xf32, #tpu.memory_space<hbm>>
    %dma_wait3A_45 = arith.constant 0 : i32
    %dma_wait3A_46 = arith.constant 0 : i32
    %dma_wait3A_47 = tpu.memref_slice %arg6[%dma_wait3A_29, %dma_wait3A_45, %dma_wait3A_46] : memref<8x100x128xf32, #tpu.memory_space<vmem>> -> memref<1x100x128xf32, #tpu.memory_space<vmem>>
    %dma_wait3A_48 = tpu.memref_squeeze %dma_wait3A_47 : memref<1x100x128xf32, #tpu.memory_space<vmem>> -> memref<100x128xf32, #tpu.memory_space<vmem>>
    tpu.wait_dma2 semaphore(%dma_wait3A_40 : memref<!tpu.dma_semaphore, #tpu.memory_space<semaphore_mem>>) src(%dma_wait3A_48 : memref<100x128xf32, #tpu.memory_space<vmem>>) dst(%dma_wait3A_44 : memref<100x128xf32, #tpu.memory_space<hbm>>)
    %dma_wait3A_49 = arith.constant 2 : i32
    %dma_wait3A_50 = arith.constant 2 : i32
    %dma_wait3A_51 = arith.constant 0 : i32
    %dma_wait3A_52 = arith.constant 0 : i32
    %dma_wait3A_53 = tpu.memref_slice %arg6[%dma_wait3A_49, %dma_wait3A_51, %dma_wait3A_52] : memref<8x100x128xf32, #tpu.memory_space<vmem>> -> memref<1x100x128xf32, #tpu.memory_space<vmem>>
    %dma_wait3A_54 = tpu.memref_squeeze %dma_wait3A_53 : memref<1x100x128xf32, #tpu.memory_space<vmem>> -> memref<100x128xf32, #tpu.memory_space<vmem>>
    %dma_wait3A_55 = arith.constant 0 : i32
    %dma_wait3A_56 = arith.constant 0 : i32
    %dma_wait3A_57 = tpu.memref_slice %arg4[%mul3A_2, %dma_wait3A_55, %dma_wait3A_56] : memref<4096x100x128xf32, #tpu.memory_space<hbm>> -> memref<1x100x128xf32, #tpu.memory_space<hbm>>
    %dma_wait3A_58 = tpu.memref_squeeze %dma_wait3A_57 : memref<1x100x128xf32, #tpu.memory_space<hbm>> -> memref<100x128xf32, #tpu.memory_space<hbm>>
    %dma_wait3A_59 = tpu.memref_slice %arg8[%dma_wait3A_50] : memref<8x!tpu.dma_semaphore, #tpu.memory_space<semaphore_mem>> -> memref<1x!tpu.dma_semaphore, #tpu.memory_space<semaphore_mem>>
    %dma_wait3A_60 = tpu.memref_squeeze %dma_wait3A_59 : memref<1x!tpu.dma_semaphore, #tpu.memory_space<semaphore_mem>> -> memref<!tpu.dma_semaphore, #tpu.memory_space<semaphore_mem>>
    %dma_wait3A_61 = arith.constant 0 : i32
    %dma_wait3A_62 = arith.constant 0 : i32
    %dma_wait3A_63 = tpu.memref_slice %arg4[%mul3A_2, %dma_wait3A_61, %dma_wait3A_62] : memref<4096x100x128xf32, #tpu.memory_space<hbm>> -> memref<1x100x128xf32, #tpu.memory_space<hbm>>
    %dma_wait3A_64 = tpu.memref_squeeze %dma_wait3A_63 : memref<1x100x128xf32, #tpu.memory_space<hbm>> -> memref<100x128xf32, #tpu.memory_space<hbm>>
    %dma_wait3A_65 = arith.constant 0 : i32
    %dma_wait3A_66 = arith.constant 0 : i32
    %dma_wait3A_67 = tpu.memref_slice %arg6[%dma_wait3A_49, %dma_wait3A_65, %dma_wait3A_66] : memref<8x100x128xf32, #tpu.memory_space<vmem>> -> memref<1x100x128xf32, #tpu.memory_space<vmem>>
    %dma_wait3A_68 = tpu.memref_squeeze %dma_wait3A_67 : memref<1x100x128xf32, #tpu.memory_space<vmem>> -> memref<100x128xf32, #tpu.memory_space<vmem>>
    tpu.wait_dma2 semaphore(%dma_wait3A_60 : memref<!tpu.dma_semaphore, #tpu.memory_space<semaphore_mem>>) src(%dma_wait3A_68 : memref<100x128xf32, #tpu.memory_space<vmem>>) dst(%dma_wait3A_64 : memref<100x128xf32, #tpu.memory_space<hbm>>)
    %dma_wait3A_69 = arith.constant 3 : i32
    %dma_wait3A_70 = arith.constant 3 : i32
    %dma_wait3A_71 = arith.constant 0 : i32
    %dma_wait3A_72 = arith.constant 0 : i32
    %dma_wait3A_73 = tpu.memref_slice %arg6[%dma_wait3A_69, %dma_wait3A_71, %dma_wait3A_72] : memref<8x100x128xf32, #tpu.memory_space<vmem>> -> memref<1x100x128xf32, #tpu.memory_space<vmem>>
    %dma_wait3A_74 = tpu.memref_squeeze %dma_wait3A_73 : memref<1x100x128xf32, #tpu.memory_space<vmem>> -> memref<100x128xf32, #tpu.memory_space<vmem>>
    %dma_wait3A_75 = arith.constant 0 : i32
    %dma_wait3A_76 = arith.constant 0 : i32
    %dma_wait3A_77 = tpu.memref_slice %arg4[%mul3A_2, %dma_wait3A_75, %dma_wait3A_76] : memref<4096x100x128xf32, #tpu.memory_space<hbm>> -> memref<1x100x128xf32, #tpu.memory_space<hbm>>
    %dma_wait3A_78 = tpu.memref_squeeze %dma_wait3A_77 : memref<1x100x128xf32, #tpu.memory_space<hbm>> -> memref<100x128xf32, #tpu.memory_space<hbm>>
    %dma_wait3A_79 = tpu.memref_slice %arg8[%dma_wait3A_70] : memref<8x!tpu.dma_semaphore, #tpu.memory_space<semaphore_mem>> -> memref<1x!tpu.dma_semaphore, #tpu.memory_space<semaphore_mem>>
    %dma_wait3A_80 = tpu.memref_squeeze %dma_wait3A_79 : memref<1x!tpu.dma_semaphore, #tpu.memory_space<semaphore_mem>> -> memref<!tpu.dma_semaphore, #tpu.memory_space<semaphore_mem>>
    %dma_wait3A_81 = arith.constant 0 : i32
    %dma_wait3A_82 = arith.constant 0 : i32
    %dma_wait3A_83 = tpu.memref_slice %arg4[%mul3A_2, %dma_wait3A_81, %dma_wait3A_82] : memref<4096x100x128xf32, #tpu.memory_space<hbm>> -> memref<1x100x128xf32, #tpu.memory_space<hbm>>
    %dma_wait3A_84 = tpu.memref_squeeze %dma_wait3A_83 : memref<1x100x128xf32, #tpu.memory_space<hbm>> -> memref<100x128xf32, #tpu.memory_space<hbm>>
    %dma_wait3A_85 = arith.constant 0 : i32
    %dma_wait3A_86 = arith.constant 0 : i32
    %dma_wait3A_87 = tpu.memref_slice %arg6[%dma_wait3A_69, %dma_wait3A_85, %dma_wait3A_86] : memref<8x100x128xf32, #tpu.memory_space<vmem>> -> memref<1x100x128xf32, #tpu.memory_space<vmem>>
    %dma_wait3A_88 = tpu.memref_squeeze %dma_wait3A_87 : memref<1x100x128xf32, #tpu.memory_space<vmem>> -> memref<100x128xf32, #tpu.memory_space<vmem>>
    tpu.wait_dma2 semaphore(%dma_wait3A_80 : memref<!tpu.dma_semaphore, #tpu.memory_space<semaphore_mem>>) src(%dma_wait3A_88 : memref<100x128xf32, #tpu.memory_space<vmem>>) dst(%dma_wait3A_84 : memref<100x128xf32, #tpu.memory_space<hbm>>)
    %dma_wait3A_89 = arith.constant 4 : i32
    %dma_wait3A_90 = arith.constant 4 : i32
    %dma_wait3A_91 = arith.constant 0 : i32
    %dma_wait3A_92 = arith.constant 0 : i32
    %dma_wait3A_93 = tpu.memref_slice %arg6[%dma_wait3A_89, %dma_wait3A_91, %dma_wait3A_92] : memref<8x100x128xf32, #tpu.memory_space<vmem>> -> memref<1x100x128xf32, #tpu.memory_space<vmem>>
    %dma_wait3A_94 = tpu.memref_squeeze %dma_wait3A_93 : memref<1x100x128xf32, #tpu.memory_space<vmem>> -> memref<100x128xf32, #tpu.memory_space<vmem>>
    %dma_wait3A_95 = arith.constant 0 : i32
    %dma_wait3A_96 = arith.constant 0 : i32
    %dma_wait3A_97 = tpu.memref_slice %arg4[%mul3A_2, %dma_wait3A_95, %dma_wait3A_96] : memref<4096x100x128xf32, #tpu.memory_space<hbm>> -> memref<1x100x128xf32, #tpu.memory_space<hbm>>
    %dma_wait3A_98 = tpu.memref_squeeze %dma_wait3A_97 : memref<1x100x128xf32, #tpu.memory_space<hbm>> -> memref<100x128xf32, #tpu.memory_space<hbm>>
    %dma_wait3A_99 = tpu.memref_slice %arg8[%dma_wait3A_90] : memref<8x!tpu.dma_semaphore, #tpu.memory_space<semaphore_mem>> -> memref<1x!tpu.dma_semaphore, #tpu.memory_space<semaphore_mem>>
    %dma_wait3A_100 = tpu.memref_squeeze %dma_wait3A_99 : memref<1x!tpu.dma_semaphore, #tpu.memory_space<semaphore_mem>> -> memref<!tpu.dma_semaphore, #tpu.memory_space<semaphore_mem>>
    %dma_wait3A_101 = arith.constant 0 : i32
    %dma_wait3A_102 = arith.constant 0 : i32
    %dma_wait3A_103 = tpu.memref_slice %arg4[%mul3A_2, %dma_wait3A_101, %dma_wait3A_102] : memref<4096x100x128xf32, #tpu.memory_space<hbm>> -> memref<1x100x128xf32, #tpu.memory_space<hbm>>
    %dma_wait3A_104 = tpu.memref_squeeze %dma_wait3A_103 : memref<1x100x128xf32, #tpu.memory_space<hbm>> -> memref<100x128xf32, #tpu.memory_space<hbm>>
    %dma_wait3A_105 = arith.constant 0 : i32
    %dma_wait3A_106 = arith.constant 0 : i32
    %dma_wait3A_107 = tpu.memref_slice %arg6[%dma_wait3A_89, %dma_wait3A_105, %dma_wait3A_106] : memref<8x100x128xf32, #tpu.memory_space<vmem>> -> memref<1x100x128xf32, #tpu.memory_space<vmem>>
    %dma_wait3A_108 = tpu.memref_squeeze %dma_wait3A_107 : memref<1x100x128xf32, #tpu.memory_space<vmem>> -> memref<100x128xf32, #tpu.memory_space<vmem>>
    tpu.wait_dma2 semaphore(%dma_wait3A_100 : memref<!tpu.dma_semaphore, #tpu.memory_space<semaphore_mem>>) src(%dma_wait3A_108 : memref<100x128xf32, #tpu.memory_space<vmem>>) dst(%dma_wait3A_104 : memref<100x128xf32, #tpu.memory_space<hbm>>)
    %dma_wait3A_109 = arith.constant 5 : i32
    %dma_wait3A_110 = arith.constant 5 : i32
    %dma_wait3A_111 = arith.constant 0 : i32
    %dma_wait3A_112 = arith.constant 0 : i32
    %dma_wait3A_113 = tpu.memref_slice %arg6[%dma_wait3A_109, %dma_wait3A_111, %dma_wait3A_112] : memref<8x100x128xf32, #tpu.memory_space<vmem>> -> memref<1x100x128xf32, #tpu.memory_space<vmem>>
    %dma_wait3A_114 = tpu.memref_squeeze %dma_wait3A_113 : memref<1x100x128xf32, #tpu.memory_space<vmem>> -> memref<100x128xf32, #tpu.memory_space<vmem>>
    %dma_wait3A_115 = arith.constant 0 : i32
    %dma_wait3A_116 = arith.constant 0 : i32
    %dma_wait3A_117 = tpu.memref_slice %arg4[%mul3A_2, %dma_wait3A_115, %dma_wait3A_116] : memref<4096x100x128xf32, #tpu.memory_space<hbm>> -> memref<1x100x128xf32, #tpu.memory_space<hbm>>
    %dma_wait3A_118 = tpu.memref_squeeze %dma_wait3A_117 : memref<1x100x128xf32, #tpu.memory_space<hbm>> -> memref<100x128xf32, #tpu.memory_space<hbm>>
    %dma_wait3A_119 = tpu.memref_slice %arg8[%dma_wait3A_110] : memref<8x!tpu.dma_semaphore, #tpu.memory_space<semaphore_mem>> -> memref<1x!tpu.dma_semaphore, #tpu.memory_space<semaphore_mem>>
    %dma_wait3A_120 = tpu.memref_squeeze %dma_wait3A_119 : memref<1x!tpu.dma_semaphore, #tpu.memory_space<semaphore_mem>> -> memref<!tpu.dma_semaphore, #tpu.memory_space<semaphore_mem>>
    %dma_wait3A_121 = arith.constant 0 : i32
    %dma_wait3A_122 = arith.constant 0 : i32
    %dma_wait3A_123 = tpu.memref_slice %arg4[%mul3A_2, %dma_wait3A_121, %dma_wait3A_122] : memref<4096x100x128xf32, #tpu.memory_space<hbm>> -> memref<1x100x128xf32, #tpu.memory_space<hbm>>
    %dma_wait3A_124 = tpu.memref_squeeze %dma_wait3A_123 : memref<1x100x128xf32, #tpu.memory_space<hbm>> -> memref<100x128xf32, #tpu.memory_space<hbm>>
    %dma_wait3A_125 = arith.constant 0 : i32
    %dma_wait3A_126 = arith.constant 0 : i32
    %dma_wait3A_127 = tpu.memref_slice %arg6[%dma_wait3A_109, %dma_wait3A_125, %dma_wait3A_126] : memref<8x100x128xf32, #tpu.memory_space<vmem>> -> memref<1x100x128xf32, #tpu.memory_space<vmem>>
    %dma_wait3A_128 = tpu.memref_squeeze %dma_wait3A_127 : memref<1x100x128xf32, #tpu.memory_space<vmem>> -> memref<100x128xf32, #tpu.memory_space<vmem>>
    tpu.wait_dma2 semaphore(%dma_wait3A_120 : memref<!tpu.dma_semaphore, #tpu.memory_space<semaphore_mem>>) src(%dma_wait3A_128 : memref<100x128xf32, #tpu.memory_space<vmem>>) dst(%dma_wait3A_124 : memref<100x128xf32, #tpu.memory_space<hbm>>)
    %dma_wait3A_129 = arith.constant 6 : i32
    %dma_wait3A_130 = arith.constant 6 : i32
    %dma_wait3A_131 = arith.constant 0 : i32
    %dma_wait3A_132 = arith.constant 0 : i32
    %dma_wait3A_133 = tpu.memref_slice %arg6[%dma_wait3A_129, %dma_wait3A_131, %dma_wait3A_132] : memref<8x100x128xf32, #tpu.memory_space<vmem>> -> memref<1x100x128xf32, #tpu.memory_space<vmem>>
    %dma_wait3A_134 = tpu.memref_squeeze %dma_wait3A_133 : memref<1x100x128xf32, #tpu.memory_space<vmem>> -> memref<100x128xf32, #tpu.memory_space<vmem>>
    %dma_wait3A_135 = arith.constant 0 : i32
    %dma_wait3A_136 = arith.constant 0 : i32
    %dma_wait3A_137 = tpu.memref_slice %arg4[%mul3A_2, %dma_wait3A_135, %dma_wait3A_136] : memref<4096x100x128xf32, #tpu.memory_space<hbm>> -> memref<1x100x128xf32, #tpu.memory_space<hbm>>
    %dma_wait3A_138 = tpu.memref_squeeze %dma_wait3A_137 : memref<1x100x128xf32, #tpu.memory_space<hbm>> -> memref<100x128xf32, #tpu.memory_space<hbm>>
    %dma_wait3A_139 = tpu.memref_slice %arg8[%dma_wait3A_130] : memref<8x!tpu.dma_semaphore, #tpu.memory_space<semaphore_mem>> -> memref<1x!tpu.dma_semaphore, #tpu.memory_space<semaphore_mem>>
    %dma_wait3A_140 = tpu.memref_squeeze %dma_wait3A_139 : memref<1x!tpu.dma_semaphore, #tpu.memory_space<semaphore_mem>> -> memref<!tpu.dma_semaphore, #tpu.memory_space<semaphore_mem>>
    %dma_wait3A_141 = arith.constant 0 : i32
    %dma_wait3A_142 = arith.constant 0 : i32
    %dma_wait3A_143 = tpu.memref_slice %arg4[%mul3A_2, %dma_wait3A_141, %dma_wait3A_142] : memref<4096x100x128xf32, #tpu.memory_space<hbm>> -> memref<1x100x128xf32, #tpu.memory_space<hbm>>
    %dma_wait3A_144 = tpu.memref_squeeze %dma_wait3A_143 : memref<1x100x128xf32, #tpu.memory_space<hbm>> -> memref<100x128xf32, #tpu.memory_space<hbm>>
    %dma_wait3A_145 = arith.constant 0 : i32
    %dma_wait3A_146 = arith.constant 0 : i32
    %dma_wait3A_147 = tpu.memref_slice %arg6[%dma_wait3A_129, %dma_wait3A_145, %dma_wait3A_146] : memref<8x100x128xf32, #tpu.memory_space<vmem>> -> memref<1x100x128xf32, #tpu.memory_space<vmem>>
    %dma_wait3A_148 = tpu.memref_squeeze %dma_wait3A_147 : memref<1x100x128xf32, #tpu.memory_space<vmem>> -> memref<100x128xf32, #tpu.memory_space<vmem>>
    tpu.wait_dma2 semaphore(%dma_wait3A_140 : memref<!tpu.dma_semaphore, #tpu.memory_space<semaphore_mem>>) src(%dma_wait3A_148 : memref<100x128xf32, #tpu.memory_space<vmem>>) dst(%dma_wait3A_144 : memref<100x128xf32, #tpu.memory_space<hbm>>)
    %dma_wait3A_149 = arith.constant 7 : i32
    %dma_wait3A_150 = arith.constant 7 : i32
    %dma_wait3A_151 = arith.constant 0 : i32
    %dma_wait3A_152 = arith.constant 0 : i32
    %dma_wait3A_153 = tpu.memref_slice %arg6[%dma_wait3A_149, %dma_wait3A_151, %dma_wait3A_152] : memref<8x100x128xf32, #tpu.memory_space<vmem>> -> memref<1x100x128xf32, #tpu.memory_space<vmem>>
    %dma_wait3A_154 = tpu.memref_squeeze %dma_wait3A_153 : memref<1x100x128xf32, #tpu.memory_space<vmem>> -> memref<100x128xf32, #tpu.memory_space<vmem>>
    %dma_wait3A_155 = arith.constant 0 : i32
    %dma_wait3A_156 = arith.constant 0 : i32
    %dma_wait3A_157 = tpu.memref_slice %arg4[%mul3A_2, %dma_wait3A_155, %dma_wait3A_156] : memref<4096x100x128xf32, #tpu.memory_space<hbm>> -> memref<1x100x128xf32, #tpu.memory_space<hbm>>
    %dma_wait3A_158 = tpu.memref_squeeze %dma_wait3A_157 : memref<1x100x128xf32, #tpu.memory_space<hbm>> -> memref<100x128xf32, #tpu.memory_space<hbm>>
    %dma_wait3A_159 = tpu.memref_slice %arg8[%dma_wait3A_150] : memref<8x!tpu.dma_semaphore, #tpu.memory_space<semaphore_mem>> -> memref<1x!tpu.dma_semaphore, #tpu.memory_space<semaphore_mem>>
    %dma_wait3A_160 = tpu.memref_squeeze %dma_wait3A_159 : memref<1x!tpu.dma_semaphore, #tpu.memory_space<semaphore_mem>> -> memref<!tpu.dma_semaphore, #tpu.memory_space<semaphore_mem>>
    %dma_wait3A_161 = arith.constant 0 : i32
    %dma_wait3A_162 = arith.constant 0 : i32
    %dma_wait3A_163 = tpu.memref_slice %arg4[%mul3A_2, %dma_wait3A_161, %dma_wait3A_162] : memref<4096x100x128xf32, #tpu.memory_space<hbm>> -> memref<1x100x128xf32, #tpu.memory_space<hbm>>
    %dma_wait3A_164 = tpu.memref_squeeze %dma_wait3A_163 : memref<1x100x128xf32, #tpu.memory_space<hbm>> -> memref<100x128xf32, #tpu.memory_space<hbm>>
    %dma_wait3A_165 = arith.constant 0 : i32
    %dma_wait3A_166 = arith.constant 0 : i32
    %dma_wait3A_167 = tpu.memref_slice %arg6[%dma_wait3A_149, %dma_wait3A_165, %dma_wait3A_166] : memref<8x100x128xf32, #tpu.memory_space<vmem>> -> memref<1x100x128xf32, #tpu.memory_space<vmem>>
    %dma_wait3A_168 = tpu.memref_squeeze %dma_wait3A_167 : memref<1x100x128xf32, #tpu.memory_space<vmem>> -> memref<100x128xf32, #tpu.memory_space<vmem>>
    tpu.wait_dma2 semaphore(%dma_wait3A_160 : memref<!tpu.dma_semaphore, #tpu.memory_space<semaphore_mem>>) src(%dma_wait3A_168 : memref<100x128xf32, #tpu.memory_space<vmem>>) dst(%dma_wait3A_164 : memref<100x128xf32, #tpu.memory_space<hbm>>)
    return
  }
}

</mosaic_0001>

<sc_bundles>
// kernel: kernel.3.cloned.1.call-start
scs
__scs_entry_jumppad:
0x0: {  	(pc) =	sbr.rel $0x88, $3  }
0x1: {  	(tag) =	ssettag $0x0;
	lr =	simm.s32 $0x1  }
0x2: {  	[smem:$0x3F9F] =	sst lr;
	_ =	strace $0xD0000000  }
0x3: {  	_ = 	snop  }
0x4: {  	_ = 	snop  }
0x5: {  	_ = 	snop  }
0x6: {  	_ = 	snop  }
0x7: {  	_ = 	snop  }
__scs_overlays_trampoline_lowered:
0x8: {  	[smem:$0x3FAE] =	sst s0  }
0x9: {  	[smem:$0x3FAF] =	sst s1  }
0xa: {  	[smem:$0x3FB0] =	sst s2  }
0xb: {  	[smem:$0x3FB1] =	sst s3  }
0xc: {  	[smem:$0x3FB2] =	sst s4  }
0xd: {  	[smem:$0x3FB3] =	sst s5  }
0xe: {  	[smem:$0x3FB4] =	sst s6  }
0xf: {  	[smem:$0x3FB5] =	sst s7  }
0x10: {  	[smem:$0x3FB6] =	sst s8  }
0x11: {  	[smem:$0x3FB7] =	sst s9;
	s0 =	simm.s32 @!p0 $0x0  }
0x12: {  	s1 =	sld [smem:$0x3F9D];
	s0 =	simm.s32 @p0 $0x1  }
0x13: {  	[smem:$0x3FB8] =	sst s0;
	s0 =	simm.s32 @!p1 $0x0  }
0x14: {  	s2 =	sld [smem:$0x3F9C];
	s0 =	simm.s32 @p1 $0x1  }
0x15: {  	[smem:$0x3FB9] =	sst s0;
	s0 =	simm.s32 @!p2 $0x0  }
0x16: {  	s3 =	sld [smem:$0x3FDB];
	s0 =	simm.s32 @p2 $0x1  }
0x17: {  	s4 =	simm.s32 $0x1BF5;
	[smem:$0x3FBB] =	sst s0  }
0x18: {  	s0 =	sld [smem:$0x3F9E];
	_ =	swait.ge [sflag:s4], $0x0  }
0x19: {  	s7 =	sld [smem:$0x3F9F]  }
0x1a: {  	s8 =	sadd.s32 $0xFFFFE003, lr  }
0x1b: {  	s9 =	sadd.s32 $0xFFFFFEF7, lr;
	s5 =	simm.s32 $0xFFFFFFFF;
	p2 =	slt.u32 s8, $0xFFFFF086  }
0x1c: {  	p1 =	slt.u32 s9, $0xF7A;
	s5 =	simm.s32 @!p2 $0x0  }
0x1d: {  	s5 =	simm.s32 @p1 $0x1;
	p0 =	seq.s32 s7, s2  }
0x1e: {  	s7 =	smul.u32 @!p0 $0xF7A, s2;
	p2 =	seq.s32 @!p0 s5, $0x0  }
0x1f: {  	s9 =	smul.u32 $0xF7A, s1;
	s8 =	simm.s32 @!p0 $0x1BF5;
	p2 =	por !p2, p0  }
0x20: {  	[sflag:s8] =	ssyncset.s32 @!p0 $0xFFFFF086;
	s6 =	sadd.s32 @!p0 s3, s7;
	s7 =	simm.s32 @!p0 $0x108  }
0x21: {  	s3 =	sadd.s32 s3, s9;
	s6 =	sadd.s32 @!p0 $0x88, s6;
	s7 =	simm.s32 @p2 $0x1082  }
0x22: {  	[simem:s7], [sflag:s8] =	dma.local @!p0 [hbm:s6], $0xF7A  }
0x23: {  	s9 =	sor.u32 $0xD0000000, s2;
	s6 =	simm.s32 $0x108;
	_ =	swait.ge @!p0 [sflag:s8], $0x0  }
0x24: {  	s3 =	sadd.s32 $0x88, s3;
	s6 =	simm.s32 @!p1 $0x1082;
	[sflag:s4] =	ssyncset.s32 $0xFFFFF086  }
0x25: {  	[simem:s6], [sflag:s4] =	dma.local [hbm:s3], $0xF7A  }
0x26: {  	[smem:$0x3F9F] =	sst s1;
	(tag) =	ssettag s2;
	_ =	strace s9  }
0x27: {  	s1 =	sld [smem:$0x3FAF]  }
0x28: {  	s2 =	sld [smem:$0x3FB0]  }
0x29: {  	s4 =	sld [smem:$0x3FB2]  }
0x2a: {  	p0 =	seq.s32 s5, $0x0;
	s5 =	sld [smem:$0x3FB3]  }
0x2b: {  	s6 =	sld [smem:$0x3FB4]  }
0x2c: {  	s7 =	sld [smem:$0x3FB5]  }
0x2d: {  	s3 =	simm.s32 $0x108;
	s8 =	sld [smem:$0x3FB6]  }
0x2e: {  	s3 =	simm.s32 @!p0 $0x1082;
	s9 =	sld [smem:$0x3FB7]  }
0x2f: {  	lr =	sadd.s32 s0, s3;
	s0 =	sld [smem:$0x3FAE]  }
0x30: {  	s3 =	sld [smem:$0x3FB1]  }
0x31: {  	[smem:$0x3FBA] =	sst s10  }
0x32: {  	s10 =	sld [smem:$0x3FB8];
	_ =	sdelay $0x3  }
0x33: {  	p0 =	seq.s32 s10, $0x1;
	s10 =	sld [smem:$0x3FBA];
	_ =	sdelay $0x3  }
0x34: {  	[smem:$0x3FBA] =	sst s10  }
0x35: {  	s10 =	sld [smem:$0x3FB9];
	_ =	sdelay $0x3  }
0x36: {  	p1 =	seq.s32 s10, $0x1;
	s10 =	sld [smem:$0x3FBA];
	_ =	sdelay $0x3  }
0x37: {  	[smem:$0x3FBA] =	sst s10  }
0x38: {  	s10 =	sld [smem:$0x3FBB]  }
0x39: {  	_ = 	snop;
	(pc) =	sbr.ind lr, $3  }
0x3a: {  	_ = 	snop  }
0x3b: {  	_ = 	snop  }
0x3c: {  	p2 =	seq.s32 s10, $0x1;
	s10 =	sld [smem:$0x3FBA]  }
0x3d: {  	_ =	shalt  }
0x3e: {  	_ =	shalt  }
0x3f: {  	_ =	shalt  }
0x40: {  	_ =	shalt  }
0x41: {  	_ =	shalt  }
0x42: {  	_ =	shalt  }
0x43: {  	_ =	shalt  }
0x44: {  	_ =	shalt  }
0x45: {  	_ =	shalt  }
0x46: {  	_ =	shalt  }
0x47: {  	_ =	shalt  }
0x48: {  	_ =	shalt  }
0x49: {  	_ =	shalt  }
0x4a: {  	_ =	shalt  }
0x4b: {  	_ =	shalt  }
0x4c: {  	_ =	shalt  }
0x4d: {  	_ =	shalt  }
0x4e: {  	_ =	shalt  }
0x4f: {  	_ =	shalt  }
0x50: {  	_ =	shalt  }
0x51: {  	_ =	shalt  }
0x52: {  	_ =	shalt  }
0x53: {  	_ =	shalt  }
0x54: {  	_ =	shalt  }
0x55: {  	_ =	shalt  }
0x56: {  	_ =	shalt  }
0x57: {  	_ =	shalt  }
0x58: {  	_ =	shalt  }
0x59: {  	_ =	shalt  }
0x5a: {  	_ =	shalt  }
0x5b: {  	_ =	shalt  }
0x5c: {  	_ =	shalt  }
0x5d: {  	_ =	shalt  }
0x5e: {  	_ =	shalt  }
0x5f: {  	_ =	shalt  }
0x60: {  	_ =	shalt  }
0x61: {  	_ =	shalt  }
0x62: {  	_ =	shalt  }
0x63: {  	_ =	shalt  }
0x64: {  	_ =	shalt  }
0x65: {  	_ =	shalt  }
0x66: {  	_ =	shalt  }
0x67: {  	_ =	shalt  }
0x68: {  	_ =	shalt  }
0x69: {  	_ =	shalt  }
0x6a: {  	_ =	shalt  }
0x6b: {  	_ =	shalt  }
0x6c: {  	_ =	shalt  }
0x6d: {  	_ =	shalt  }
0x6e: {  	_ =	shalt  }
0x6f: {  	_ =	shalt  }
0x70: {  	_ =	shalt  }
0x71: {  	_ =	shalt  }
0x72: {  	_ =	shalt  }
0x73: {  	_ =	shalt  }
0x74: {  	_ =	shalt  }
0x75: {  	_ =	shalt  }
0x76: {  	_ =	shalt  }
0x77: {  	_ =	shalt  }
0x78: {  	_ =	shalt  }
0x79: {  	_ =	shalt  }
0x7a: {  	_ =	shalt  }
0x7b: {  	_ =	shalt  }
0x7c: {  	_ =	shalt  }
0x7d: {  	_ =	shalt  }
0x7e: {  	_ =	shalt  }
0x7f: {  	_ =	shalt  }
0x80: {  	_ =	shalt  }
0x81: {  	_ =	shalt  }
0x82: {  	_ =	shalt  }
0x83: {  	_ =	shalt  }
0x84: {  	_ =	shalt  }
0x85: {  	_ =	shalt  }
0x86: {  	_ =	shalt  }
0x87: {  	_ =	shalt  }
.Lfunc_end0:
.L_simem_size_0:
called_computation.1_lowered:
.L_overlay_start_0:
0x88: {  	s2 =	sld [smem:$0x3FD9]  }
0x89: {  	s3 =	sld [smem:$0x3FFE];
	_ =	sdelay $0x1  }
0x8a: {  	s1 =	srdreg.scid  }
0x8b: {  	s0 =	sand.u32 $0x1, s1  }
0x8c: {  	s16 =	sshll.u32 s0, $0xA;
	s2 =	sadd.s32 s3, s2  }
0x8d: {  	s2 =	sadd.s32 s2, s16  }
0x8e: {  	[smem:$0x3FC6] =	sst s2  }
0x8f: {  	_ = 	snop  }
0x90: {  	(tm) =	ssettm $0x1  }
0x91: {  	s17 =	sld [smem:$0x3FFB];
	_ =	sdelay $0x3  }
0x92: {  	_ =	strace s17  }
0x93: {  	s2 =	sld [smem:$0x3FFC];
	_ =	sdelay $0x3  }
0x94: {  	_ =	strace s2  }
0x95: {  	s2 =	sld [smem:$0x3FFD];
	_ =	sdelay $0x3  }
0x96: {  	_ =	strace s2  }
0x97: {  	_ =	strace $0x8FFFFFFF  }
0x98: {  	s18 =	sld [smem:$0x3FDB];
	_ =	sdelay $0x1  }
0x99: {  	s19 =	simm.s32 $_scs_section_size  }
0x9a: {  	s4 =	simm.s32 $_size__tile_overlayer_lowered;
	s5 =	simm.s32 $_tile_overlayer_lowered  }
0x9b: {  	s22 =	simm.s32 $0x1BFF;
	s21 =	sshll.u32 s5, $0x1;
	s2 =	sadd.s32 s19, s18  }
0x9c: {  	s6 =	simm.s32 $0x0;
	s20 =	sshll.u32 s4, $0x1;
	s4 =	sadd.s32 s21, s2  }
0x9d: {  	[timem:s6], [sflag:s22] =	dma.local [hbm:s4], s20  }
0x9e: {  	_ =	swait.ge [sflag:s22], s20  }
0x9f: {  	s3 =	ssub.s32 $0x0, s20;
	[sflag:s22] =	ssyncset.done $0x0  }
0xa0: {  	[sflag:s22] =	ssyncadd.s32 s3;
	_ =	sdelay $0x1  }
0xa1: {  	s23 =	simm.s32 $0x1B8B  }
0xa2: {  	_ =	swait.ge [sflag:s23], $0x1  }
0xa3: {  	[sflag:s23] =	ssyncset.done $0x0  }
0xa4: {  	s25 =	simm.s32 $0x1B8E;
	s24 =	sld [smem:$0x3FFE];
	[sflag:s23] =	ssyncadd.s32 $0xFFFFFFFF  }
0xa5: {  	s26 =	simm.s32 $execute0_lowered;
	[smem:$0x3FD2] =	sst s25  }
0xa6: {  	s4 =	sshll.u32 s26, $0x1;
	_ =	strace $0x80000046;
	[dreg:$0x1] =	wrdreg $0xFFFFFFFF  }
0xa7: {  	s28 =	simm.s32 $_size_execute0_lowered;
	s2 =	sadd.s32 s2, s4;
	[dreg:$0x0] =	wrdreg $0x0  }
0xa8: {  	s4 =	sshll.u32 s28, $0x1;
	[dreg:$0x2] =	wrdreg s2  }
0xa9: {  	[dreg:$0x3] =	wrdreg s4  }
0xaa: {  	[dreg:$0x4] =	wrdreg $0xC0  }
0xab: {  	_ =	task [dreg:s6], $0x5FFFF  }
0xac: {  	[dreg:$0x1] =	wrdreg $0xFFFFFFFF  }
0xad: {  	[dreg:$0x0] =	wrdreg $0x60  }
0xae: {  	[dreg:$0x2] =	wrdreg s24  }
0xaf: {  	[dreg:$0x3] =	wrdreg $0x9  }
0xb0: {  	_ =	task.clear_ibuf [dreg:s6], $0x4FFFF;
	_ =	strace $0x90000046  }
0xb1: {  	s29 =	simm.s32 $0x9;
	_ =	strace $0x80000048  }
0xb2: {  	_ =	swait.ge [sflag:s29], $0x1  }
0xb3: {  	[sflag:s29] =	ssyncadd.s32 $0xFFFFFFFF  }
0xb4: {  	_ =	strace $0x90000048  }
0xb5: {  	_ =	sfence  }
0xb6: {  	s30 =	sld [smem:$0x0];
	_ =	sdelay $0x2  }
0xb7: {  	s31 =	sshll.u32 s1, $0xD;
	s1 =	sshrl.u32 s1, $0x2  }
0xb8: {  	s3 =	sand.u32 $0x4000, s31;
	s1 =	sadd.s32 s1, s30  }
0xb9: {  	s0 =	sor.u32 s3, s0;
	s1 =	sshll.u32 s1, $0x11  }
0xba: {  	s0 =	sor.u32 s1, s0  }
0xbb: {  	s0 =	sadd.s32 $0x8F2B, s0  }
0xbc: {  	[sflag:s0] =	ssyncadd.remote.s32 $0x1  }
0xbd: {  	_ =	sfence.sel $0xFFFF  }
0xbe: {  	[dreg:$0x0] =	wrdreg $0xFFFFFFFF;
	(pc) =	sbr.abs _section_cstart, $3  }
0xbf: {  	[dreg:$0x1] =	wrdreg $0xFFFFFFFF  }
0xc0: {  	_ =	task.clear_ibuf [dreg:s6], $0x2FFFF;
	_ =	strace $0x9FFFFFFF  }
0xc1: {  	(tm) =	ssettm $0x7FFFFFFF  }
tec
execute0_lowered:
.L_overlay_start_1:
0x0: {  	(tag) =	ssettag $0x1  }
0x1: {  	s4 =	rddreg [dreg:$0x0]  }
0x2: {  	s3 =	srdreg.scid;
	s0 =	stileid.u32  }
0x3: {  	s2 =	simm.s32 $0x0;
	s26 =	simm.s32 $0x64;
	s28 =	simm.s32 $0x4000  }
0x4: {  	s5 =	sand.u32 $0x1, s3;
	s29 =	smul.u32 $0x340000, s0;
	s6 =	sshll.u32 s0, $0xC  }
0x5: {  	[smem:$0x7FF] =	sst s2;
	s3 =	sadd.s32 $0x10800, s4;
	s21 =	smul.u32 $0x68000, s0  }
0x6: {  	s31 =	sadd.s32 $0x197200, s4;
	s7 =	sshll.u32 s5, $0xB;
	s8 =	smul.u32 $0x1A0000, s5  }
0x7: {  	_ =	strace $0x80000047;
	s9 =	ssub.s32 $0x2, s5;
	[dreg:$0xa] =	wrdreg s26  }
0x8: {  	s22 =	smul.u32 $0x34000, s5;
	[dreg:$0xb] =	wrdreg s28;
	s6 =	sor.u32 s7, s6  }
0x9: {  	s11 =	sshrl.u32 s9, $0x1;
	s24 =	sadd.s32 s21, s31;
	s21 =	simm.s32 $0xE  }
0xa: {  	s6 =	sadd.s32 s6, s4;
	s30 =	sadd.s32 s8, s29;
	s9 =	ssub.s32 s9, s11  }
0xb: {  	s25 =	sadd.s32 s22, s24;
	s8 =	simm.s32 $0x1;
	s29 =	simm.s32 $0x7400  }
0xc: {  	s11 =	simm.s32 $0x4;
	s22 =	simm.s32 $0xF;
	s24 =	simm.s32 $0x0  }
0xd: {  	s13 =	sor.u32 $0x16C00, s30;
	s10 =	sor.u32 $0x13800, s30;
	s15 =	sor.u32 $0x10400, s30  }
0xe: {  	s17 =	sor.u32 $0xD000, s30;
	s12 =	sor.u32 $0x9C00, s30;
	s1 =	sadd.s32 $0x800, s6  }
0xf: {  	s20 =	sor.u32 $0x6800, s30;
	s7 =	sor.u32 $0x3400, s30;
	[dreg:$0x9] =	wrdreg s25  }
0x10: {  	s5 =	smax.u32 s9, $0x1;
	s9 =	simm.s32 $0x2;
	[dreg:$0xc] =	wrdreg s29  }
0x11: {  	s30 =	simm.s32 $0xA800;
	s4 =	sshrl.u32 s13, $0x3;
	s10 =	sshrl.u32 s10, $0x3  }
0x12: {  	s16 =	sshrl.u32 s15, $0x3;
	s19 =	sshrl.u32 s12, $0x3;
	[dreg:$0x12] =	wrdreg s1  }
0x13: {  	s6 =	sshrl.u32 s20, $0x3;
	s7 =	sshrl.u32 s7, $0x3;
	[dreg:$0xd] =	wrdreg s30  }
0x14: {  	s13 =	simm.s32 $0x11000;
	s12 =	simm.s32 $0x5;
	s15 =	simm.s32 $0x17800  }
0x15: {  	s20 =	simm.s32 $0xD;
	s4 =	sadd.s32 s4, s31;
	[dreg:$0xf] =	wrdreg s13  }
0x16: {  	s14 =	sadd.s32 s10, s31;
	s10 =	sshrl.u32 s17, $0x3;
	[dreg:$0x11] =	wrdreg s15  }
0x17: {  	s6 =	sadd.s32 s6, s31;
	s23 =	sadd.s32 s7, s31;
	[dreg:$0x2] =	wrdreg s4  }
0x18: {  	s7 =	simm.s32 $0x1AC00;
	s13 =	simm.s32 $0x6;
	[dreg:$0x3] =	wrdreg s14  }
0x19: {  	s15 =	simm.s32 $0x8;
	s17 =	simm.s32 $0xA;
	[dreg:$0x7] =	wrdreg s6  }
0x1a: {  	s4 =	sadd.s32 s16, s31;
	s18 =	sadd.s32 s10, s31;
	[dreg:$0x8] =	wrdreg s23  }
0x1b: {  	s10 =	sadd.s32 s19, s31;
	s6 =	simm.s32 $0x11;
	[dreg:$0x4] =	wrdreg s4  }
0x1c: {  	s31 =	simm.s32 $0xDC00;
	s14 =	simm.s32 $0x14400;
	[dreg:$0x5] =	wrdreg s18  }
0x1d: {  	s16 =	simm.s32 $0x9;
	s19 =	simm.s32 $0xC;
	[dreg:$0x6] =	wrdreg s10  }
0x1e: {  	s23 =	simm.s32 $0x10;
	s10 =	simm.s32 $0x3;
	[dreg:$0xe] =	wrdreg s31  }
0x1f: {  	[dreg:$0x10] =	wrdreg s14;
	s14 =	simm.s32 $0x7;
	s18 =	simm.s32 $0xB  }
.LBB2_1:
0x20: {  	s0 =	rddreg [dreg:$0x12]  }
0x21: {  	[tilespmem:s2], [sflag:$0x11] =	stream.linear.gather [hbm4b:s0+s2], $0x4000, $0x38;
	[tilespmem:$0x1E000] =	vst v63  }
0x22: {  	p0 =	por $0x0, $0x0;
	_ =	swait.ge [sflag:s6], $0x4000  }
0x23: {  	p0 =	por p0, p0;
	[sflag:s6] =	ssyncset.done $0x0  }
0x24: {  	s25 =	simm.s32 @p0 $0x9;
	[sflag:s6] =	ssyncadd.s32 $0xFFFFC000  }
0x25: {  	_ =	swait.ge @p0 [sflag:s25], $0x3200  }
0x26: {  	s26 =	simm.s32 @p0 $0x4000;
	s28 =	simm.s32 @p0 $0xA;
	[sflag:s25] =	ssyncset.done @p0 $0x0  }
0x27: {  	s29 =	simm.s32 @p0 $0x64;
	[sflag:s25] =	ssyncadd.s32 @p0 $0xFFFFCE00;
	s25 =	simm.s32 @p0 $0x0  }
0x28: {  	[tilespmem:s26], [sflag:$0x1] =	stream.indirect.gather @p0 [hbm4b:s3+s29], $0x80, s25, s29, $0xb8;
	[tilespmem:$0x1E000] =	vst v63  }
0x29: {  	_ =	swait.ge @p0 [sflag:s28], $0x3200  }
0x2a: {  	s30 =	simm.s32 @p0 $0x7400;
	[sflag:s28] =	ssyncset.done @p0 $0x0  }
0x2b: {  	s26 =	simm.s32 @p0 $0xB;
	[sflag:s28] =	ssyncadd.s32 @p0 $0xFFFFCE00;
	s28 =	simm.s32 @p0 $0x80  }
0x2c: {  	[tilespmem:s30], [sflag:$0x2] =	stream.indirect.gather @p0 [hbm4b:s3+s29], $0x80, s28, s29, $0xb8;
	[tilespmem:$0x1E000] =	vst v63  }
0x2d: {  	_ =	swait.ge @p0 [sflag:s26], $0x3200  }
0x2e: {  	s28 =	simm.s32 @p0 $0xC;
	[sflag:s26] =	ssyncset.done @p0 $0x0  }
0x2f: {  	s30 =	simm.s32 @p0 $0xA800;
	[sflag:s26] =	ssyncadd.s32 @p0 $0xFFFFCE00;
	s26 =	simm.s32 @p0 $0x100  }
0x30: {  	[tilespmem:s30], [sflag:$0x3] =	stream.indirect.gather @p0 [hbm4b:s3+s29], $0x80, s26, s29, $0xb8;
	[tilespmem:$0x1E000] =	vst v63  }
0x31: {  	_ =	swait.ge @p0 [sflag:s28], $0x3200  }
0x32: {  	s26 =	simm.s32 $0x180;
	[sflag:s28] =	ssyncset.done @p0 $0x0  }
0x33: {  	s30 =	simm.s32 @p0 $0xD;
	[sflag:s28] =	ssyncadd.s32 @p0 $0xFFFFCE00;
	s28 =	simm.s32 @p0 $0xDC00  }
0x34: {  	[tilespmem:s28], [sflag:$0x4] =	stream.indirect.gather @p0 [hbm4b:s3+s29], $0x80, s26, s29, $0xb8;
	[tilespmem:$0x1E000] =	vst v63  }
0x35: {  	_ =	swait.ge @p0 [sflag:s30], $0x3200  }
0x36: {  	s26 =	simm.s32 @p0 $0xE;
	[sflag:s30] =	ssyncset.done @p0 $0x0  }
0x37: {  	s28 =	simm.s32 @p0 $0x200;
	[sflag:s30] =	ssyncadd.s32 @p0 $0xFFFFCE00;
	s30 =	simm.s32 @p0 $0x11000  }
0x38: {  	[tilespmem:s30], [sflag:$0x5] =	stream.indirect.gather @p0 [hbm4b:s3+s29], $0x80, s28, s29, $0xb8;
	[tilespmem:$0x1E000] =	vst v63  }
0x39: {  	_ =	swait.ge @p0 [sflag:s26], $0x3200  }
0x3a: {  	s28 =	simm.s32 @p0 $0xF;
	[sflag:s26] =	ssyncset.done @p0 $0x0  }
0x3b: {  	s30 =	simm.s32 @p0 $0x14400;
	[sflag:s26] =	ssyncadd.s32 @p0 $0xFFFFCE00;
	s26 =	simm.s32 @p0 $0x280  }
0x3c: {  	[tilespmem:s30], [sflag:$0x6] =	stream.indirect.gather @p0 [hbm4b:s3+s29], $0x80, s26, s29, $0xb8;
	[tilespmem:$0x1E000] =	vst v63  }
0x3d: {  	_ =	swait.ge @p0 [sflag:s28], $0x3200  }
0x3e: {  	s26 =	simm.s32 @p0 $0x10;
	[sflag:s28] =	ssyncset.done @p0 $0x0  }
0x3f: {  	s30 =	simm.s32 @p0 $0x17800;
	[sflag:s28] =	ssyncadd.s32 @p0 $0xFFFFCE00;
	s28 =	simm.s32 @p0 $0x300  }
0x40: {  	[tilespmem:s30], [sflag:$0x7] =	stream.indirect.gather @p0 [hbm4b:s3+s29], $0x80, s28, s29, $0xb8;
	[tilespmem:$0x1E000] =	vst v63  }
0x41: {  	_ =	swait.ge @p0 [sflag:s26], $0x3200  }
0x42: {  	s28 =	simm.s32 @!p0 $0x4000;
	[sflag:s26] =	ssyncset.done @p0 $0x0  }
0x43: {  	s29 =	simm.s32 @!p0 $0x0;
	[sflag:s26] =	ssyncadd.s32 @p0 $0xFFFFCE00;
	s26 =	simm.s32 @!p0 $0x64  }
0x44: {  	[tilespmem:s28], [sflag:$0x1] =	stream.indirect.gather @!p0 [hbm4b:s3+s26], $0x80, s29, s26, $0xb8;
	[tilespmem:$0x1E000] =	vst v63  }
0x45: {  	s28 =	simm.s32 @!p0 $0x80;
	s29 =	simm.s32 @!p0 $0x7400  }
0x46: {  	[tilespmem:s29], [sflag:$0x2] =	stream.indirect.gather @!p0 [hbm4b:s3+s26], $0x80, s28, s26, $0xb8;
	[tilespmem:$0x1E000] =	vst v63  }
0x47: {  	s28 =	simm.s32 @!p0 $0x100;
	s29 =	simm.s32 @!p0 $0xA800  }
0x48: {  	[tilespmem:s29], [sflag:$0x3] =	stream.indirect.gather @!p0 [hbm4b:s3+s26], $0x80, s28, s26, $0xb8;
	[tilespmem:$0x1E000] =	vst v63  }
0x49: {  	s28 =	simm.s32 @!p0 $0x180;
	s29 =	simm.s32 @!p0 $0xDC00  }
0x4a: {  	[tilespmem:s29], [sflag:$0x4] =	stream.indirect.gather @!p0 [hbm4b:s3+s26], $0x80, s28, s26, $0xb8;
	[tilespmem:$0x1E000] =	vst v63  }
0x4b: {  	s28 =	simm.s32 @!p0 $0x200;
	s29 =	simm.s32 @!p0 $0x11000  }
0x4c: {  	[tilespmem:s29], [sflag:$0x5] =	stream.indirect.gather @!p0 [hbm4b:s3+s26], $0x80, s28, s26, $0xb8;
	[tilespmem:$0x1E000] =	vst v63  }
0x4d: {  	s28 =	simm.s32 @!p0 $0x280;
	s29 =	simm.s32 @!p0 $0x14400  }
0x4e: {  	[tilespmem:s29], [sflag:$0x6] =	stream.indirect.gather @!p0 [hbm4b:s3+s26], $0x80, s28, s26, $0xb8;
	[tilespmem:$0x1E000] =	vst v63  }
0x4f: {  	s25 =	simm.s32 @!p0 $0x0;
	s28 =	simm.s32 @!p0 $0x300;
	s29 =	simm.s32 @!p0 $0x17800  }
0x50: {  	[tilespmem:s29], [sflag:$0x7] =	stream.indirect.gather @!p0 [hbm4b:s3+s26], $0x80, s28, s26, $0xb8;
	[tilespmem:$0x1E000] =	vst v63  }
0x51: {  	s25 =	sadd.s32 $0x380, s25;
	s30 =	rddreg [dreg:$0xa]  }
0x52: {  	[tilespmem:s7], [sflag:$0x8] =	stream.indirect.gather [hbm4b:s3+s30], $0x80, s25, s30, $0xb8;
	[tilespmem:$0x1E000] =	vst v63  }
0x53: {  	_ =	swait.ge [sflag:s8], $0x3200  }
0x54: {  	s26 =	rddreg [dreg:$0x9];
	[sflag:s8] =	ssyncset.done $0x0  }
0x55: {  	s29 =	rddreg [dreg:$0xb];
	[sflag:s8] =	ssyncadd.s32 $0xFFFFCE00;
	s25 =	sadd.s32 $0x0, s26  }
0x56: {  	[hbm4b:s25+s2] =	stream.linear.scatter [tilespmem:s29], [sflag:$0x9], $0x3200, $0x38;
	[tilespmem:$0x1E000] =	vst v63  }
0x57: {  	_ =	swait.ge [sflag:s9], $0x3200  }
0x58: {  	s31 =	rddreg [dreg:$0x8];
	[sflag:s9] =	ssyncset.done $0x0  }
0x59: {  	s0 =	rddreg [dreg:$0xc];
	[sflag:s9] =	ssyncadd.s32 $0xFFFFCE00;
	s25 =	sadd.s32 $0x0, s31  }
0x5a: {  	[hbm4b:s25+s2] =	stream.linear.scatter [tilespmem:s0], [sflag:$0xA], $0x3200, $0x38;
	[tilespmem:$0x1E000] =	vst v63  }
0x5b: {  	_ =	swait.ge [sflag:s10], $0x3200  }
0x5c: {  	s1 =	rddreg [dreg:$0x7];
	[sflag:s10] =	ssyncset.done $0x0  }
0x5d: {  	s4 =	rddreg [dreg:$0xd];
	[sflag:s10] =	ssyncadd.s32 $0xFFFFCE00;
	s25 =	sadd.s32 $0x0, s1  }
0x5e: {  	[hbm4b:s25+s2] =	stream.linear.scatter [tilespmem:s4], [sflag:$0xB], $0x3200, $0x38;
	[tilespmem:$0x1E000] =	vst v63  }
0x5f: {  	_ =	swait.ge [sflag:s11], $0x3200  }
0x60: {  	s26 =	rddreg [dreg:$0x6];
	[sflag:s11] =	ssyncset.done $0x0  }
0x61: {  	s29 =	rddreg [dreg:$0xe];
	[sflag:s11] =	ssyncadd.s32 $0xFFFFCE00;
	s25 =	sadd.s32 $0x0, s26  }
0x62: {  	[hbm4b:s25+s2] =	stream.linear.scatter [tilespmem:s29], [sflag:$0xC], $0x3200, $0x38;
	[tilespmem:$0x1E000] =	vst v63  }
0x63: {  	_ =	swait.ge [sflag:s12], $0x3200  }
0x64: {  	s31 =	rddreg [dreg:$0x5];
	[sflag:s12] =	ssyncset.done $0x0  }
0x65: {  	s0 =	rddreg [dreg:$0xf];
	[sflag:s12] =	ssyncadd.s32 $0xFFFFCE00;
	s25 =	sadd.s32 $0x0, s31  }
0x66: {  	[hbm4b:s25+s2] =	stream.linear.scatter [tilespmem:s0], [sflag:$0xD], $0x3200, $0x38;
	[tilespmem:$0x1E000] =	vst v63  }
0x67: {  	_ =	swait.ge [sflag:s13], $0x3200  }
0x68: {  	s1 =	rddreg [dreg:$0x4];
	[sflag:s13] =	ssyncset.done $0x0  }
0x69: {  	s4 =	rddreg [dreg:$0x10];
	[sflag:s13] =	ssyncadd.s32 $0xFFFFCE00;
	s25 =	sadd.s32 $0x0, s1  }
0x6a: {  	[hbm4b:s25+s2] =	stream.linear.scatter [tilespmem:s4], [sflag:$0xE], $0x3200, $0x38;
	[tilespmem:$0x1E000] =	vst v63  }
0x6b: {  	_ =	swait.ge [sflag:s14], $0x3200  }
0x6c: {  	p6 =	por $0x1, $0x1;
	s26 =	rddreg [dreg:$0x3];
	[sflag:s14] =	ssyncset.done $0x0  }
0x6d: {  	s29 =	rddreg [dreg:$0x11];
	[sflag:s14] =	ssyncadd.s32 $0xFFFFCE00;
	s25 =	sadd.s32 $0x0, s26  }
0x6e: {  	[hbm4b:s25+s2] =	stream.linear.scatter [tilespmem:s29], [sflag:$0xF], $0x3200, $0x38;
	[tilespmem:$0x1E000] =	vst v63  }
0x6f: {  	s28 =	simm.s32 $0x6800;
	p0 =	por p6, p6;
	_ =	swait.ge [sflag:s15], $0x3200  }
0x70: {  	s26 =	simm.s32 $0x580;
	s31 =	rddreg [dreg:$0x2];
	[sflag:s15] =	ssyncset.done $0x0  }
0x71: {  	s25 =	simm.s32 $0x3400;
	[sflag:s15] =	ssyncadd.s32 $0xFFFFCE00;
	s30 =	sadd.s32 $0x0, s31  }
.LBB2_2:
0x72: {  	[hbm4b:s30+s2] =	stream.linear.scatter [tilespmem:s7], [sflag:$0x10], $0x3200, $0x38;
	[tilespmem:$0x1E000] =	vst v63  }
0x73: {  	s30 =	simm.s32 @p0 $0x9  }
0x74: {  	_ =	swait.ge @p0 [sflag:s30], $0x3200  }
0x75: {  	s0 =	simm.s32 @p0 $0x4000;
	s1 =	simm.s32 @p0 $0xA;
	[sflag:s30] =	ssyncset.done @p0 $0x0  }
0x76: {  	s31 =	simm.s32 @p0 $0x64;
	[sflag:s30] =	ssyncadd.s32 @p0 $0xFFFFCE00;
	s30 =	sadd.s32 @p0 $0xFFFFFE80, s26  }
0x77: {  	[tilespmem:s0], [sflag:$0x1] =	stream.indirect.gather @p0 [hbm4b:s3+s31], $0x80, s30, s31, $0xb8;
	[tilespmem:$0x1E000] =	vst v63  }
0x78: {  	_ =	swait.ge @p0 [sflag:s1], $0x3200  }
0x79: {  	s4 =	simm.s32 @p0 $0x7400;
	[sflag:s1] =	ssyncset.done @p0 $0x0  }
0x7a: {  	s0 =	simm.s32 @p0 $0xB;
	[sflag:s1] =	ssyncadd.s32 @p0 $0xFFFFCE00;
	s1 =	sadd.s32 @p0 $0xFFFFFF00, s26  }
0x7b: {  	[tilespmem:s4], [sflag:$0x2] =	stream.indirect.gather @p0 [hbm4b:s3+s31], $0x80, s1, s31, $0xb8;
	[tilespmem:$0x1E000] =	vst v63  }
0x7c: {  	_ =	swait.ge @p0 [sflag:s0], $0x3200  }
0x7d: {  	s1 =	simm.s32 @p0 $0xC;
	[sflag:s0] =	ssyncset.done @p0 $0x0  }
0x7e: {  	s4 =	simm.s32 @p0 $0xA800;
	[sflag:s0] =	ssyncadd.s32 @p0 $0xFFFFCE00;
	s0 =	sadd.s32 @p0 $0xFFFFFF80, s26  }
0x7f: {  	[tilespmem:s4], [sflag:$0x3] =	stream.indirect.gather @p0 [hbm4b:s3+s31], $0x80, s0, s31, $0xb8;
	[tilespmem:$0x1E000] =	vst v63  }
0x80: {  	_ =	swait.ge @p0 [sflag:s1], $0x3200  }
0x81: {  	[sflag:s1] =	ssyncset.done @p0 $0x0  }
0x82: {  	s0 =	simm.s32 @p0 $0xDC00;
	[sflag:s1] =	ssyncadd.s32 @p0 $0xFFFFCE00;
	s1 =	simm.s32 @p0 $0xD  }
0x83: {  	[tilespmem:s0], [sflag:$0x4] =	stream.indirect.gather @p0 [hbm4b:s3+s31], $0x80, s26, s31, $0xb8;
	[tilespmem:$0x1E000] =	vst v63  }
0x84: {  	_ =	swait.ge @p0 [sflag:s1], $0x3200  }
0x85: {  	s4 =	simm.s32 @p0 $0x11000;
	[sflag:s1] =	ssyncset.done @p0 $0x0  }
0x86: {  	s0 =	simm.s32 @p0 $0xE;
	[sflag:s1] =	ssyncadd.s32 @p0 $0xFFFFCE00;
	s1 =	sadd.s32 @p0 $0x80, s26  }
0x87: {  	[tilespmem:s4], [sflag:$0x5] =	stream.indirect.gather @p0 [hbm4b:s3+s31], $0x80, s1, s31, $0xb8;
	[tilespmem:$0x1E000] =	vst v63  }
0x88: {  	_ =	swait.ge @p0 [sflag:s0], $0x3200  }
0x89: {  	s1 =	simm.s32 @p0 $0xF;
	[sflag:s0] =	ssyncset.done @p0 $0x0  }
0x8a: {  	s4 =	simm.s32 @p0 $0x14400;
	[sflag:s0] =	ssyncadd.s32 @p0 $0xFFFFCE00;
	s0 =	sadd.s32 @p0 $0x100, s26  }
0x8b: {  	[tilespmem:s4], [sflag:$0x6] =	stream.indirect.gather @p0 [hbm4b:s3+s31], $0x80, s0, s31, $0xb8;
	[tilespmem:$0x1E000] =	vst v63  }
0x8c: {  	_ =	swait.ge @p0 [sflag:s1], $0x3200  }
0x8d: {  	s0 =	simm.s32 @p0 $0x10;
	[sflag:s1] =	ssyncset.done @p0 $0x0  }
0x8e: {  	s4 =	simm.s32 @p0 $0x17800;
	[sflag:s1] =	ssyncadd.s32 @p0 $0xFFFFCE00;
	s1 =	sadd.s32 @p0 $0x180, s26  }
0x8f: {  	[tilespmem:s4], [sflag:$0x7] =	stream.indirect.gather @p0 [hbm4b:s3+s31], $0x80, s1, s31, $0xb8;
	[tilespmem:$0x1E000] =	vst v63  }
0x90: {  	_ =	swait.ge @p0 [sflag:s0], $0x3200  }
0x91: {  	s1 =	simm.s32 @!p0 $0x4000;
	[sflag:s0] =	ssyncset.done @p0 $0x0  }
0x92: {  	s4 =	simm.s32 @!p0 $0x0;
	[sflag:s0] =	ssyncadd.s32 @p0 $0xFFFFCE00;
	s0 =	simm.s32 @!p0 $0x64  }
0x93: {  	[tilespmem:s1], [sflag:$0x1] =	stream.indirect.gather @!p0 [hbm4b:s3+s0], $0x80, s4, s0, $0xb8;
	[tilespmem:$0x1E000] =	vst v63  }
0x94: {  	s1 =	simm.s32 @!p0 $0x80;
	s4 =	simm.s32 @!p0 $0x7400  }
0x95: {  	[tilespmem:s4], [sflag:$0x2] =	stream.indirect.gather @!p0 [hbm4b:s3+s0], $0x80, s1, s0, $0xb8;
	[tilespmem:$0x1E000] =	vst v63  }
0x96: {  	s1 =	simm.s32 @!p0 $0x100;
	s4 =	simm.s32 @!p0 $0xA800  }
0x97: {  	[tilespmem:s4], [sflag:$0x3] =	stream.indirect.gather @!p0 [hbm4b:s3+s0], $0x80, s1, s0, $0xb8;
	[tilespmem:$0x1E000] =	vst v63  }
0x98: {  	s1 =	simm.s32 @!p0 $0x180;
	s4 =	simm.s32 @!p0 $0xDC00  }
0x99: {  	[tilespmem:s4], [sflag:$0x4] =	stream.indirect.gather @!p0 [hbm4b:s3+s0], $0x80, s1, s0, $0xb8;
	[tilespmem:$0x1E000] =	vst v63  }
0x9a: {  	s1 =	simm.s32 @!p0 $0x200;
	s4 =	simm.s32 @!p0 $0x11000  }
0x9b: {  	[tilespmem:s4], [sflag:$0x5] =	stream.indirect.gather @!p0 [hbm4b:s3+s0], $0x80, s1, s0, $0xb8;
	[tilespmem:$0x1E000] =	vst v63  }
0x9c: {  	s1 =	simm.s32 @!p0 $0x280;
	s4 =	simm.s32 @!p0 $0x14400  }
0x9d: {  	[tilespmem:s4], [sflag:$0x6] =	stream.indirect.gather @!p0 [hbm4b:s3+s0], $0x80, s1, s0, $0xb8;
	[tilespmem:$0x1E000] =	vst v63  }
0x9e: {  	s30 =	simm.s32 @!p0 $0x0;
	s1 =	simm.s32 @!p0 $0x300;
	s4 =	simm.s32 @!p0 $0x17800  }
0x9f: {  	[tilespmem:s4], [sflag:$0x7] =	stream.indirect.gather @!p0 [hbm4b:s3+s0], $0x80, s1, s0, $0xb8;
	[tilespmem:$0x1E000] =	vst v63  }
0xa0: {  	s31 =	rddreg [dreg:$0xa];
	s1 =	sadd.s32 $0x380, s30  }
0xa1: {  	[tilespmem:s7], [sflag:$0x8] =	stream.indirect.gather [hbm4b:s3+s31], $0x80, s1, s31, $0xb8;
	[tilespmem:$0x1E000] =	vst v63  }
0xa2: {  	_ =	swait.ge [sflag:s8], $0x3200  }
0xa3: {  	s4 =	rddreg [dreg:$0x9];
	[sflag:s8] =	ssyncset.done $0x0  }
0xa4: {  	s31 =	rddreg [dreg:$0xb];
	[sflag:s8] =	ssyncadd.s32 $0xFFFFCE00;
	s0 =	sadd.s32 s25, s4  }
0xa5: {  	[hbm4b:s0+s2] =	stream.linear.scatter [tilespmem:s31], [sflag:$0x9], $0x3200, $0x38;
	[tilespmem:$0x1E000] =	vst v63  }
0xa6: {  	_ =	swait.ge [sflag:s9], $0x3200  }
0xa7: {  	s4 =	rddreg [dreg:$0x8];
	[sflag:s9] =	ssyncset.done $0x0  }
0xa8: {  	s31 =	rddreg [dreg:$0xc];
	[sflag:s9] =	ssyncadd.s32 $0xFFFFCE00;
	s0 =	sadd.s32 s25, s4  }
0xa9: {  	[hbm4b:s0+s2] =	stream.linear.scatter [tilespmem:s31], [sflag:$0xA], $0x3200, $0x38;
	[tilespmem:$0x1E000] =	vst v63  }
0xaa: {  	_ =	swait.ge [sflag:s10], $0x3200  }
0xab: {  	s4 =	rddreg [dreg:$0x7];
	[sflag:s10] =	ssyncset.done $0x0  }
0xac: {  	s31 =	rddreg [dreg:$0xd];
	[sflag:s10] =	ssyncadd.s32 $0xFFFFCE00;
	s0 =	sadd.s32 s25, s4  }
0xad: {  	[hbm4b:s0+s2] =	stream.linear.scatter [tilespmem:s31], [sflag:$0xB], $0x3200, $0x38;
	[tilespmem:$0x1E000] =	vst v63  }
0xae: {  	_ =	swait.ge [sflag:s11], $0x3200  }
0xaf: {  	s4 =	rddreg [dreg:$0x6];
	[sflag:s11] =	ssyncset.done $0x0  }
0xb0: {  	s31 =	rddreg [dreg:$0xe];
	[sflag:s11] =	ssyncadd.s32 $0xFFFFCE00;
	s0 =	sadd.s32 s25, s4  }
0xb1: {  	[hbm4b:s0+s2] =	stream.linear.scatter [tilespmem:s31], [sflag:$0xC], $0x3200, $0x38;
	[tilespmem:$0x1E000] =	vst v63  }
0xb2: {  	_ =	swait.ge [sflag:s12], $0x3200  }
0xb3: {  	s4 =	rddreg [dreg:$0x5];
	[sflag:s12] =	ssyncset.done $0x0  }
0xb4: {  	s31 =	rddreg [dreg:$0xf];
	[sflag:s12] =	ssyncadd.s32 $0xFFFFCE00;
	s0 =	sadd.s32 s25, s4  }
0xb5: {  	[hbm4b:s0+s2] =	stream.linear.scatter [tilespmem:s31], [sflag:$0xD], $0x3200, $0x38;
	[tilespmem:$0x1E000] =	vst v63  }
0xb6: {  	_ =	swait.ge [sflag:s13], $0x3200  }
0xb7: {  	s4 =	rddreg [dreg:$0x4];
	[sflag:s13] =	ssyncset.done $0x0  }
0xb8: {  	s31 =	rddreg [dreg:$0x10];
	[sflag:s13] =	ssyncadd.s32 $0xFFFFCE00;
	s0 =	sadd.s32 s25, s4  }
0xb9: {  	[hbm4b:s0+s2] =	stream.linear.scatter [tilespmem:s31], [sflag:$0xE], $0x3200, $0x38;
	[tilespmem:$0x1E000] =	vst v63  }
0xba: {  	_ =	swait.ge [sflag:s14], $0x3200  }
0xbb: {  	s29 =	smov.u32 s28;
	s28 =	sadd.s32 $0x3400, s28;
	s1 =	rddreg [dreg:$0x3]  }
0xbc: {  	p1 =	sne.s32 s28, $0x34000;
	s4 =	rddreg [dreg:$0x11];
	[sflag:s14] =	ssyncset.done $0x0  }
.Ltmp0:
0xbd: {  	[sflag:s14] =	ssyncadd.s32 $0xFFFFCE00;
	s0 =	sadd.s32 s25, s1;
	(pc) =	sbr.rel @p1 .LBB2_2-.Ltmp0, $4  }
0xbe: {  	[hbm4b:s0+s2] =	stream.linear.scatter [tilespmem:s4], [sflag:$0xF], $0x3200, $0x38;
	[tilespmem:$0x1E000] =	vst v63  }
0xbf: {  	p2 =	sne.s32 s29, $0x0;
	s26 =	sadd.s32 $0x400, s26;
	_ =	swait.ge [sflag:s15], $0x3200  }
0xc0: {  	p0 =	por p2, p2;
	[sflag:s15] =	ssyncset.done $0x0;
	s31 =	rddreg [dreg:$0x2]  }
0xc1: {  	[sflag:s15] =	ssyncadd.s32 $0xFFFFCE00;
	s30 =	sadd.s32 s25, s31;
	s25 =	smov.u32 s29  }
0xc2: {  	[hbm4b:s30+s2] =	stream.linear.scatter [tilespmem:s7], [sflag:$0x10], $0x3200, $0x38;
	[tilespmem:$0x1E000] =	vst v63  }
0xc3: {  	s0 =	simm.s32 @p0 $0x9  }
0xc4: {  	_ =	swait.ge @p0 [sflag:s0], $0x3200  }
0xc5: {  	s1 =	simm.s32 @p0 $0x4000;
	s4 =	simm.s32 @p0 $0xA;
	[sflag:s0] =	ssyncset.done @p0 $0x0  }
0xc6: {  	s28 =	sadd.s32 @p0 $0xFFFFFE80, s26;
	[sflag:s0] =	ssyncadd.s32 @p0 $0xFFFFCE00;
	s0 =	simm.s32 @p0 $0x64  }
0xc7: {  	[tilespmem:s1], [sflag:$0x1] =	stream.indirect.gather @p0 [hbm4b:s3+s0], $0x80, s28, s0, $0xb8;
	[tilespmem:$0x1E000] =	vst v63  }
0xc8: {  	_ =	swait.ge @p0 [sflag:s4], $0x3200  }
0xc9: {  	[sflag:s4] =	ssyncset.done @p0 $0x0  }
0xca: {  	s1 =	sadd.s32 @p0 $0xFFFFFF00, s26;
	[sflag:s4] =	ssyncadd.s32 @p0 $0xFFFFCE00;
	s4 =	simm.s32 @p0 $0x7400  }
0xcb: {  	[tilespmem:s4], [sflag:$0x2] =	stream.indirect.gather @p0 [hbm4b:s3+s0], $0x80, s1, s0, $0xb8;
	[tilespmem:$0x1E000] =	vst v63  }
0xcc: {  	s1 =	simm.s32 @p0 $0xB  }
0xcd: {  	_ =	swait.ge @p0 [sflag:s1], $0x3200  }
0xce: {  	[sflag:s1] =	ssyncset.done @p0 $0x0  }
0xcf: {  	s4 =	simm.s32 @p0 $0xA800;
	[sflag:s1] =	ssyncadd.s32 @p0 $0xFFFFCE00;
	s1 =	sadd.s32 @p0 $0xFFFFFF80, s26  }
0xd0: {  	[tilespmem:s4], [sflag:$0x3] =	stream.indirect.gather @p0 [hbm4b:s3+s0], $0x80, s1, s0, $0xb8;
	[tilespmem:$0x1E000] =	vst v63  }
0xd1: {  	s1 =	simm.s32 @p0 $0xC  }
0xd2: {  	_ =	swait.ge @p0 [sflag:s1], $0x3200  }
0xd3: {  	[sflag:s1] =	ssyncset.done @p0 $0x0  }
0xd4: {  	s4 =	simm.s32 @p0 $0xD;
	[sflag:s1] =	ssyncadd.s32 @p0 $0xFFFFCE00;
	s1 =	simm.s32 @p0 $0xDC00  }
0xd5: {  	[tilespmem:s1], [sflag:$0x4] =	stream.indirect.gather @p0 [hbm4b:s3+s0], $0x80, s26, s0, $0xb8;
	[tilespmem:$0x1E000] =	vst v63  }
0xd6: {  	_ =	swait.ge @p0 [sflag:s4], $0x3200  }
0xd7: {  	[sflag:s4] =	ssyncset.done @p0 $0x0  }
0xd8: {  	s1 =	sadd.s32 @p0 $0x80, s26;
	[sflag:s4] =	ssyncadd.s32 @p0 $0xFFFFCE00;
	s4 =	simm.s32 @p0 $0x11000  }
0xd9: {  	[tilespmem:s4], [sflag:$0x5] =	stream.indirect.gather @p0 [hbm4b:s3+s0], $0x80, s1, s0, $0xb8;
	[tilespmem:$0x1E000] =	vst v63  }
0xda: {  	s1 =	simm.s32 @p0 $0xE  }
0xdb: {  	_ =	swait.ge @p0 [sflag:s1], $0x3200  }
0xdc: {  	[sflag:s1] =	ssyncset.done @p0 $0x0  }
0xdd: {  	s4 =	simm.s32 @p0 $0x14400;
	[sflag:s1] =	ssyncadd.s32 @p0 $0xFFFFCE00;
	s1 =	sadd.s32 @p0 $0x100, s26  }
0xde: {  	[tilespmem:s4], [sflag:$0x6] =	stream.indirect.gather @p0 [hbm4b:s3+s0], $0x80, s1, s0, $0xb8;
	[tilespmem:$0x1E000] =	vst v63  }
0xdf: {  	s1 =	simm.s32 @p0 $0xF  }
0xe0: {  	_ =	swait.ge @p0 [sflag:s1], $0x3200  }
0xe1: {  	[sflag:s1] =	ssyncset.done @p0 $0x0  }
0xe2: {  	s4 =	simm.s32 @p0 $0x17800;
	[sflag:s1] =	ssyncadd.s32 @p0 $0xFFFFCE00;
	s1 =	sadd.s32 @p0 $0x180, s26  }
0xe3: {  	[tilespmem:s4], [sflag:$0x7] =	stream.indirect.gather @p0 [hbm4b:s3+s0], $0x80, s1, s0, $0xb8;
	[tilespmem:$0x1E000] =	vst v63  }
0xe4: {  	s0 =	simm.s32 @p0 $0x10  }
0xe5: {  	_ =	swait.ge @p0 [sflag:s0], $0x3200  }
0xe6: {  	s1 =	simm.s32 @!p0 $0x4000;
	[sflag:s0] =	ssyncset.done @p0 $0x0  }
0xe7: {  	s4 =	simm.s32 @!p0 $0x0;
	[sflag:s0] =	ssyncadd.s32 @p0 $0xFFFFCE00;
	s0 =	simm.s32 @!p0 $0x64  }
0xe8: {  	[tilespmem:s1], [sflag:$0x1] =	stream.indirect.gather @!p0 [hbm4b:s3+s0], $0x80, s4, s0, $0xb8;
	[tilespmem:$0x1E000] =	vst v63  }
0xe9: {  	s1 =	simm.s32 @!p0 $0x80;
	s4 =	simm.s32 @!p0 $0x7400  }
0xea: {  	[tilespmem:s4], [sflag:$0x2] =	stream.indirect.gather @!p0 [hbm4b:s3+s0], $0x80, s1, s0, $0xb8;
	[tilespmem:$0x1E000] =	vst v63  }
0xeb: {  	s1 =	simm.s32 @!p0 $0x100;
	s4 =	simm.s32 @!p0 $0xA800  }
0xec: {  	[tilespmem:s4], [sflag:$0x3] =	stream.indirect.gather @!p0 [hbm4b:s3+s0], $0x80, s1, s0, $0xb8;
	[tilespmem:$0x1E000] =	vst v63  }
0xed: {  	s1 =	simm.s32 @!p0 $0x180;
	s4 =	simm.s32 @!p0 $0xDC00  }
0xee: {  	[tilespmem:s4], [sflag:$0x4] =	stream.indirect.gather @!p0 [hbm4b:s3+s0], $0x80, s1, s0, $0xb8;
	[tilespmem:$0x1E000] =	vst v63  }
0xef: {  	s1 =	simm.s32 @!p0 $0x200;
	s4 =	simm.s32 @!p0 $0x11000  }
0xf0: {  	[tilespmem:s4], [sflag:$0x5] =	stream.indirect.gather @!p0 [hbm4b:s3+s0], $0x80, s1, s0, $0xb8;
	[tilespmem:$0x1E000] =	vst v63  }
0xf1: {  	s1 =	simm.s32 @!p0 $0x280;
	s4 =	simm.s32 @!p0 $0x14400  }
0xf2: {  	[tilespmem:s4], [sflag:$0x6] =	stream.indirect.gather @!p0 [hbm4b:s3+s0], $0x80, s1, s0, $0xb8;
	[tilespmem:$0x1E000] =	vst v63  }
0xf3: {  	s28 =	simm.s32 @!p0 $0x0;
	s1 =	simm.s32 @!p0 $0x300;
	s4 =	simm.s32 @!p0 $0x17800  }
0xf4: {  	[tilespmem:s4], [sflag:$0x7] =	stream.indirect.gather @!p0 [hbm4b:s3+s0], $0x80, s1, s0, $0xb8;
	[tilespmem:$0x1E000] =	vst v63  }
0xf5: {  	s29 =	sadd.s32 $0x380, s28;
	s26 =	rddreg [dreg:$0xa]  }
0xf6: {  	[tilespmem:s7], [sflag:$0x8] =	stream.indirect.gather [hbm4b:s3+s26], $0x80, s29, s26, $0xb8;
	[tilespmem:$0x1E000] =	vst v63  }
0xf7: {  	_ =	swait.ge [sflag:s8], $0x3200  }
0xf8: {  	s30 =	rddreg [dreg:$0x9];
	[sflag:s8] =	ssyncset.done $0x0  }
0xf9: {  	s31 =	rddreg [dreg:$0xb];
	[sflag:s8] =	ssyncadd.s32 $0xFFFFCE00;
	s0 =	sadd.s32 s25, s30  }
0xfa: {  	[hbm4b:s0+s2] =	stream.linear.scatter [tilespmem:s31], [sflag:$0x9], $0x3200, $0x38;
	[tilespmem:$0x1E000] =	vst v63  }
0xfb: {  	_ =	swait.ge [sflag:s9], $0x3200  }
0xfc: {  	s4 =	rddreg [dreg:$0x8];
	[sflag:s9] =	ssyncset.done $0x0  }
0xfd: {  	s26 =	rddreg [dreg:$0xc];
	[sflag:s9] =	ssyncadd.s32 $0xFFFFCE00;
	s0 =	sadd.s32 s25, s4  }
0xfe: {  	[hbm4b:s0+s2] =	stream.linear.scatter [tilespmem:s26], [sflag:$0xA], $0x3200, $0x38;
	[tilespmem:$0x1E000] =	vst v63  }
0xff: {  	_ =	swait.ge [sflag:s10], $0x3200  }
0x100: {  	s28 =	rddreg [dreg:$0x7];
	[sflag:s10] =	ssyncset.done $0x0  }
0x101: {  	s29 =	rddreg [dreg:$0xd];
	[sflag:s10] =	ssyncadd.s32 $0xFFFFCE00;
	s0 =	sadd.s32 s25, s28  }
0x102: {  	[hbm4b:s0+s2] =	stream.linear.scatter [tilespmem:s29], [sflag:$0xB], $0x3200, $0x38;
	[tilespmem:$0x1E000] =	vst v63  }
0x103: {  	_ =	swait.ge [sflag:s11], $0x3200  }
0x104: {  	s30 =	rddreg [dreg:$0x6];
	[sflag:s11] =	ssyncset.done $0x0  }
0x105: {  	s31 =	rddreg [dreg:$0xe];
	[sflag:s11] =	ssyncadd.s32 $0xFFFFCE00;
	s0 =	sadd.s32 s25, s30  }
0x106: {  	[hbm4b:s0+s2] =	stream.linear.scatter [tilespmem:s31], [sflag:$0xC], $0x3200, $0x38;
	[tilespmem:$0x1E000] =	vst v63  }
0x107: {  	_ =	swait.ge [sflag:s12], $0x3200  }
0x108: {  	s1 =	rddreg [dreg:$0x5];
	[sflag:s12] =	ssyncset.done $0x0  }
0x109: {  	s4 =	rddreg [dreg:$0xf];
	[sflag:s12] =	ssyncadd.s32 $0xFFFFCE00;
	s0 =	sadd.s32 s25, s1  }
0x10a: {  	[hbm4b:s0+s2] =	stream.linear.scatter [tilespmem:s4], [sflag:$0xD], $0x3200, $0x38;
	[tilespmem:$0x1E000] =	vst v63  }
0x10b: {  	_ =	swait.ge [sflag:s13], $0x3200  }
0x10c: {  	s26 =	rddreg [dreg:$0x4];
	[sflag:s13] =	ssyncset.done $0x0  }
0x10d: {  	s28 =	rddreg [dreg:$0x10];
	[sflag:s13] =	ssyncadd.s32 $0xFFFFCE00;
	s0 =	sadd.s32 s25, s26  }
0x10e: {  	[hbm4b:s0+s2] =	stream.linear.scatter [tilespmem:s28], [sflag:$0xE], $0x3200, $0x38;
	[tilespmem:$0x1E000] =	vst v63  }
0x10f: {  	_ =	swait.ge [sflag:s14], $0x3200  }
0x110: {  	s29 =	rddreg [dreg:$0x3];
	[sflag:s14] =	ssyncset.done $0x0  }
0x111: {  	s30 =	rddreg [dreg:$0x11];
	[sflag:s14] =	ssyncadd.s32 $0xFFFFCE00;
	s0 =	sadd.s32 s25, s29  }
0x112: {  	[hbm4b:s0+s2] =	stream.linear.scatter [tilespmem:s30], [sflag:$0xF], $0x3200, $0x38;
	[tilespmem:$0x1E000] =	vst v63  }
0x113: {  	_ =	swait.ge [sflag:s15], $0x3200  }
0x114: {  	s31 =	rddreg [dreg:$0x2];
	[sflag:s15] =	ssyncset.done $0x0  }
0x115: {  	s0 =	sadd.s32 s25, s31;
	[sflag:s15] =	ssyncadd.s32 $0xFFFFCE00  }
0x116: {  	[hbm4b:s0+s2] =	stream.linear.scatter [tilespmem:s7], [sflag:$0x10], $0x3200, $0x38;
	[tilespmem:$0x1E000] =	vst v63  }
0x117: {  	_ =	swait.ge [sflag:s16], $0x3200  }
0x118: {  	[sflag:s16] =	ssyncset.done $0x0  }
0x119: {  	[sflag:s16] =	ssyncadd.s32 $0xFFFFCE00  }
0x11a: {  	_ =	swait.ge [sflag:s17], $0x3200  }
0x11b: {  	[sflag:s17] =	ssyncset.done $0x0  }
0x11c: {  	[sflag:s17] =	ssyncadd.s32 $0xFFFFCE00  }
0x11d: {  	_ =	swait.ge [sflag:s18], $0x3200  }
0x11e: {  	[sflag:s18] =	ssyncset.done $0x0  }
0x11f: {  	[sflag:s18] =	ssyncadd.s32 $0xFFFFCE00  }
0x120: {  	_ =	swait.ge [sflag:s19], $0x3200  }
0x121: {  	[sflag:s19] =	ssyncset.done $0x0  }
0x122: {  	[sflag:s19] =	ssyncadd.s32 $0xFFFFCE00  }
0x123: {  	_ =	swait.ge [sflag:s20], $0x3200  }
0x124: {  	[sflag:s20] =	ssyncset.done $0x0  }
0x125: {  	[sflag:s20] =	ssyncadd.s32 $0xFFFFCE00  }
0x126: {  	_ =	swait.ge [sflag:s21], $0x3200  }
0x127: {  	[sflag:s21] =	ssyncset.done $0x0  }
0x128: {  	s24 =	sadd.s32 $0x1, s24;
	[sflag:s21] =	ssyncadd.s32 $0xFFFFCE00  }
0x129: {  	p0 =	sne.s32 s24, s5;
	_ =	swait.ge [sflag:s22], $0x3200  }
.Ltmp1:
0x12a: {  	[sflag:s22] =	ssyncset.done $0x0;
	(pc) =	sbr.rel @p0 .LBB2_1-.Ltmp1, $4  }
0x12b: {  	[sflag:s22] =	ssyncadd.s32 $0xFFFFCE00  }
0x12c: {  	_ =	swait.ge [sflag:s23], $0x3200  }
0x12d: {  	[sflag:s23] =	ssyncset.done $0x0  }
0x12e: {  	[sflag:s23] =	ssyncadd.s32 $0xFFFFCE00  }
0x12f: {  	_ =	sfence.sel $0x180000  }
0x130: {  	[bflag:$0x0] =	sbarrier.arrive $0xFFFF  }
0x131: {  	_ =	strace $0x90000047  }
0x132: {  	s0 =	stileid.u32;
	[bflag:$0x2] =	sbarrier.arrive $0xFFFF  }
0x133: {  	p0 =	sne.s32 s0, $0x0;
	s0 =	rddreg [dreg:$0x1]  }
0x134: {  	s0 =	sadd.s32 @!p0 $0x100000, s0  }
0x135: {  	[sflag:s0] =	ssyncadd.tile.s32 @!p0 $0x1;
	_ =	shalt  }
.Lfunc_end2:
_tile_overlayer_lowered:
.L_overlay_start_2:
0x136: {  	(tag) =	ssettag $0x2  }
0x137: {  	s0 =	rddreg [dreg:$0x0];
	s2 =	stileid.u32  }
0x138: {  	s1 =	rddreg [dreg:$0x1];
	p0 =	sne.s32 s2, $0x0  }
0x139: {  	s3 =	rddreg [dreg:$0x2];
	[bflag:$0x3] =	sbarrier.arrive $0xFFFF;
	s2 =	simm.s32 @!p0 $0x1C11  }
0x13a: {  	[timem:s3], [sflag:s2] =	dma.local @!p0 [hbm:s0], s1  }
0x13b: {  	s0 =	simm.s32 @!p0 $0x11  }
0x13c: {  	_ =	swait.ge @!p0 [sflag:s0], s1  }
0x13d: {  	s1 =	ssub.s32 @!p0 $0x0, s1;
	[sflag:s0] =	ssyncset.done @!p0 $0x0  }
0x13e: {  	[sflag:s0] =	ssyncadd.s32 @!p0 s1  }
0x13f: {  	[bflag:$0x3] =	sbarrier.arrive $0xFFFF  }
0x140: {  	_ =	shalt  }

// kernel: sparse-core-data-format-call.cloned.1.call-start
scs
called_computation_lowered:
.L_overlay_start_0:
0x0: {  	s2 =	sld [smem:$0x3FD9]  }
0x1: {  	s3 =	sld [smem:$0x3FFE];
	_ =	sdelay $0x1  }
0x2: {  	s1 =	srdreg.scid  }
0x3: {  	s0 =	sand.u32 $0x1, s1  }
0x4: {  	s18 =	sshll.u32 s0, $0xA;
	s2 =	sadd.s32 s3, s2  }
0x5: {  	s2 =	sadd.s32 s2, s18  }
0x6: {  	[smem:$0x3FC6] =	sst s2  }
0x7: {  	_ = 	snop  }
0x8: {  	s2 =	sld [smem:$0x3FD0];
	(tm) =	ssettm $0x1  }
0x9: {  	s19 =	sld [smem:$0x3FFB];
	_ =	sdelay $0x3  }
0xa: {  	_ =	strace s19  }
0xb: {  	s3 =	sld [smem:$0x3FFC];
	_ =	sdelay $0x3  }
0xc: {  	_ =	strace s3  }
0xd: {  	s3 =	sld [smem:$0x3FFD];
	_ =	sdelay $0x3  }
0xe: {  	_ =	strace s3  }
0xf: {  	_ =	strace $0x8FFFFFFF  }
0x10: {  	s20 =	sld [smem:$0x3FDB];
	_ =	sdelay $0x1  }
0x11: {  	s4 =	simm.s32 $_scs_section_size  }
0x12: {  	s5 =	simm.s32 $_size__tile_overlayer_lowered;
	s6 =	simm.s32 $_tile_overlayer_lowered  }
0x13: {  	s23 =	simm.s32 $0x1BFF;
	s22 =	sshll.u32 s6, $0x1;
	s3 =	sadd.s32 s4, s20  }
0x14: {  	s7 =	simm.s32 $0x0;
	s21 =	sshll.u32 s5, $0x1;
	s5 =	sadd.s32 s22, s3  }
0x15: {  	[timem:s7], [sflag:s23] =	dma.local [hbm:s5], s21  }
0x16: {  	_ =	swait.ge [sflag:s23], s21  }
0x17: {  	s4 =	ssub.s32 $0x0, s21;
	[sflag:s23] =	ssyncset.done $0x0  }
0x18: {  	[sflag:s23] =	ssyncadd.s32 s4;
	_ =	sdelay $0x1  }
0x19: {  	s24 =	simm.s32 $0x1B8B  }
0x1a: {  	_ =	swait.ge [sflag:s24], $0x1  }
0x1b: {  	[sflag:s24] =	ssyncset.done $0x0  }
0x1c: {  	s26 =	simm.s32 $0x1B8E;
	s25 =	sld [smem:$0x3FFE];
	[sflag:s24] =	ssyncadd.s32 $0xFFFFFFFF  }
0x1d: {  	s27 =	simm.s32 $execute0_lowered;
	[smem:$0x3FD2] =	sst s26  }
0x1e: {  	s5 =	sshll.u32 s27, $0x1;
	_ =	strace $0x80000049;
	[dreg:$0x1] =	wrdreg $0xFFFFFFFF  }
0x1f: {  	s28 =	simm.s32 $_size_execute0_lowered;
	s3 =	sadd.s32 s3, s5;
	[dreg:$0x0] =	wrdreg $0x0  }
0x20: {  	s5 =	sshll.u32 s28, $0x1;
	[dreg:$0x2] =	wrdreg s3  }
0x21: {  	[dreg:$0x3] =	wrdreg s5  }
0x22: {  	[dreg:$0x4] =	wrdreg $0xC0  }
0x23: {  	_ =	task [dreg:s7], $0x5FFFF  }
0x24: {  	[dreg:$0x1] =	wrdreg $0xFFFFFFFF  }
0x25: {  	[dreg:$0x0] =	wrdreg $0x60  }
0x26: {  	[dreg:$0x2] =	wrdreg s25  }
0x27: {  	[dreg:$0x3] =	wrdreg s2  }
0x28: {  	[dreg:$0x4] =	wrdreg $0x9  }
0x29: {  	_ =	task.clear_ibuf [dreg:s7], $0x5FFFF;
	_ =	strace $0x90000049  }
0x2a: {  	s29 =	simm.s32 $0x9;
	_ =	strace $0x8000004B  }
0x2b: {  	_ =	swait.ge [sflag:s29], $0x1  }
0x2c: {  	[sflag:s29] =	ssyncadd.s32 $0xFFFFFFFF  }
0x2d: {  	_ =	strace $0x9000004B  }
0x2e: {  	_ =	sfence  }
0x2f: {  	s30 =	sld [smem:$0x0];
	_ =	sdelay $0x2  }
0x30: {  	s31 =	sshll.u32 s1, $0xD;
	s1 =	sshrl.u32 s1, $0x2  }
0x31: {  	s3 =	sand.u32 $0x4000, s31;
	s1 =	sadd.s32 s1, s30  }
0x32: {  	s0 =	sor.u32 s3, s0;
	s1 =	sshll.u32 s1, $0x11  }
0x33: {  	s0 =	sor.u32 s1, s0  }
0x34: {  	s0 =	sadd.s32 $0x8F2B, s0  }
0x35: {  	[sflag:s0] =	ssyncadd.remote.s32 $0x1  }
0x36: {  	_ =	sfence.sel $0xFFFF  }
0x37: {  	[dreg:$0x0] =	wrdreg $0xFFFFFFFF;
	(pc) =	sbr.abs _section_cstart, $3  }
0x38: {  	[dreg:$0x1] =	wrdreg $0xFFFFFFFF  }
0x39: {  	_ =	task.clear_ibuf [dreg:s7], $0x2FFFF;
	_ =	strace $0x9FFFFFFF  }
0x3a: {  	(tm) =	ssettm $0x7FFFFFFF  }
0x3b: {  	_ =	shalt  }
tec
execute0_lowered:
.L_overlay_start_1:
0x0: {  	(tag) =	ssettag $0x1  }
0x1: {  	s0 =	srdreg.scid  }
0x2: {  	s1 =	sshll.u32 s0, $0x4  }
0x3: {  	s0 =	stileid.u32;
	s1 =	sand.u32 $0x10, s1  }
0x4: {  	s1 =	sor.u32 s0, s1  }
0x5: {  	s6 =	rddreg [dreg:$0x0];
	s4 =	simm.s32 $0x1;
	s2 =	sshll.u32 s1, $0x7  }
0x6: {  	s7 =	simm.s32 $0x2;
	s12 =	simm.s32 $0x0;
	s1 =	ssub.s32 $0x1000, s2  }
0x7: {  	s8 =	simm.s32 $0x8000;
	s13 =	simm.s32 $0x0;
	s3 =	sand.u32 $0xF80, s1  }
0x8: {  	s9 =	simm.s32 $0x0;
	s5 =	sshrl.u32 s1, $0xC;
	p0 =	sne.s32 s3, $0x0  }
.Ltmp0:
0x9: {  	s1 =	rddreg [dreg:$0x2];
	s4 =	simm.s32 @!p0 $0x0;
	(pc) =	sbr.rel .LBB1_1-.Ltmp0, $4  }
0xa: {  	s11 =	simm.s32 $0x0;
	s3 =	rddreg [dreg:$0x1];
	s5 =	sadd.s32 s4, s5  }
0xb: {  	_ =	strace $0x8000004A;
	s4 =	simm.s32 $0x1;
	s5 =	smul.u32 $0x64, s5  }
0xc: {  	s6 =	sadd.s32 $0x197200, s6;
	s10 =	smov.u32 s2;
	[sflag:s4] =	ssyncpa.u1 $0x0  }
0xd: {  	p0 =	por $0x0, $0x0;
	[sflag:s7] =	ssyncpa.u1 $0x0;
	s7 =	sor.u32 $0x1, s5  }
.LBB1_4:
0xe: {  	s16 =	sshll.u32 s13, $0x3;
	s17 =	sand.u32 $0x78, s13  }
0xf: {  	s30 =	sand.u32 $0x7E00, s13;
	s12 =	sshll.u32 s12, $0xF;
	s16 =	sand.u32 $0xC00, s16  }
0x10: {  	[tilespmem:s15+$0x810 ss:$0x81] =	vst.msk $0xffff, v2;
	s31 =	sand.u32 $0x7, s13;
	s16 =	sor.u32 s17, s16;
	s17 =	sadd.s32 s3, s30  }
0x11: {  	[tilespmem:s15+$0x1020 ss:$0x81] =	vst.msk $0xffff, v0;
	s13 =	sshll.u32 s31, $0x12;
	s12 =	sadd.s32 s12, s17;
	s16 =	sshrl.u32 s16, $0x3  }
0x12: {  	[tilespmem:s15+$0x0 ss:$0x81] =	vst.msk $0xffff, v1;
	s13 =	sor.u32 $0x400, s13;
	s12 =	sadd.s32 s16, s12  }
0x13: {  	[hbm4b:s12+s13] =	stream.strided.scatter [tilespmem:s14], [sflag:$0x2], $0x2000, s8, s13, $0x20;
	[tilespmem:$0x8080] =	vst v63  }
.LBB1_5:
0x14: {  	s14 =	sadd.s32 $0x1, s9  }
0x15: {  	s12 =	sadd.s32 $0x1000, s10;
	s16 =	smov.u32 s10;
	p2 =	sgt.s32 s14, $0x63  }
0x16: {  	s16 =	smov.u32 @p2 s12  }
0x17: {  	s14 =	simm.s32 @p2 $0x0;
	p2 =	sgt.s32 s16, $0xFFF  }
0x18: {  	s16 =	smov.u32 @p2 s2;
	p2 =	sne.s32 s11, s7  }
.Ltmp1:
0x19: {  	p1 =	slt.u32 s11, $0x2;
	(pc) =	sbr.rel @!p2 .LBB1_6-.Ltmp1, $4  }
0x1a: {  	s15 =	simm.s32 @!p1 $0x2  }
0x1b: {  	s13 =	smov.u32 s10;
	p0 =	por !p0, !p0;
	_ =	swait.ge @!p1 [sflag:s15], $0x2000  }
0x1c: {  	s12 =	smov.u32 s9;
	[sflag:s15] =	ssyncset.done @!p1 $0x0;
	s9 =	smov.u32 s14  }
0x1d: {  	s11 =	sadd.s32 $0x1, s11;
	[sflag:s15] =	ssyncadd.s32 @!p1 $0xFFFFE000;
	s10 =	smov.u32 s16  }
.LBB1_1:
0x1e: {  	p1 =	sge.u32 s11, s5  }
0x1f: {  	s14 =	sand.u32 @!p1 $0x1FFFFFF, s9  }
0x20: {  	s15 =	smulhi.u32 @!p1 $0x2762763, s14;
	_ =	sdelay $0x1  }
0x21: {  	s15 =	smul.u32 @!p1 $0x68, s15  }
0x22: {  	s16 =	sxor.u32 @!p1 $0xFFFFFFFF, s11;
	s17 =	smul.u32 @!p1 $0x680, s10  }
0x23: {  	s31 =	sadd.s32 $0xFFFFFFFF, s11;
	s16 =	sshll.u32 @!p1 s16, $0xD;
	s14 =	ssub.s32 @!p1 s14, s15  }
0x24: {  	s15 =	sand.u32 @!p1 $0x2000, s16;
	s16 =	sadd.s32 @!p1 s6, s17;
	s14 =	sshll.u32 @!p1 s14, $0x4  }
0x25: {  	s17 =	simm.s32 @!p1 $0x3400;
	s14 =	sadd.s32 @!p1 s14, s16;
	s16 =	simm.s32 @!p1 $0x40  }
0x26: {  	[tilespmem:s15], [sflag:$0x1] =	stream.strided.gather @!p1 [hbm4b:s14+s16], $0x2000, s17, s16, $0x38;
	[tilespmem:$0x8080] =	vst v63  }
0x27: {  	p1 =	sge.u32 s31, s5  }
.Ltmp2:
0x28: {  	_ = 	snop;
	(pc) =	sbr.rel @p1 .LBB1_5-.Ltmp2, $1  }
0x29: {  	_ =	sdelay $0x3  }
0x2a: {  	s14 =	simm.s32 $0x1  }
0x2b: {  	_ =	swait.ge [sflag:s4], $0x2000;
	s14 =	simm.s32 @!p0 $0x0  }
0x2c: {  	[sflag:s4] =	ssyncset.done $0x0;
	s15 =	sshll.u32 s14, $0xD  }
0x2d: {  	[sflag:s4] =	ssyncadd.s32 $0xFFFFE000;
	s18 =	sor.u32 $0x20, s15  }
0x2e: {  	s14 =	smul.u32 $0x8100, s14;
	v3 =	vld [tilespmem:s18+$0x10]  }
0x2f: {  	s30 =	sand.u32 $0x1, s11;
	v2 =	vld [tilespmem:s18+$0xFFFFFFF0]  }
0x30: {  	s15 =	smul.u32 $0x8100, s30;
	s14 =	sshrl.u32 s14, $0x2;
	v0 =	vld [tilespmem:s18+$0x0]  }
0x31: {  	v1 =	vld [tilespmem:s18+$0xFFFFFFE0];
	s16 =	sor.u32 $0x4000, s14  }
0x32: {  	s31 =	sshrl.u32 s15, $0x2;
	s15 =	sadd.s32 $0x0, s16  }
0x33: {  	s17 =	simm.s32 $0x4;
	s18 =	sadd.s32 $0x40, s18;
	s14 =	sor.u32 $0x4000, s31;
	[tilespmem:s15+$0x1830 ss:$0x81] =	vst.msk $0xffff, v3  }
.LBB1_3:
0x34: {  	v3 =	vld [tilespmem:s18+$0x10];
	p1 =	sne.s32 s17, $0x1FC;
	[tilespmem:s15+$0x810 ss:$0x81] =	vst.msk $0xffff, v2;
	s19 =	smov.u32 s17;
	s17 =	sadd.s32 $0x4, s17  }
.Ltmp3:
0x35: {  	v2 =	vld [tilespmem:s18+$0xFFFFFFF0];
	[tilespmem:s15+$0x1020 ss:$0x81] =	vst.msk $0xffff, v0;
	(pc) =	sbr.rel @p1 .LBB1_3-.Ltmp3, $4  }
0x36: {  	v0 =	vld [tilespmem:s18+$0x0];
	[tilespmem:s15+$0x0 ss:$0x81] =	vst.msk $0xffff, v1  }
0x37: {  	s15 =	sshra.s32 s19, $0x2;
	v1 =	vld [tilespmem:s18+$0xFFFFFFE0]  }
0x38: {  	s15 =	sadd.s32 s15, s16  }
0x39: {  	s18 =	sadd.s32 $0x40, s18;
	[tilespmem:s15+$0x1830 ss:$0x81] =	vst.msk $0xffff, v3  }
.Ltmp4:
0x3a: {  	_ = 	snop;
	(pc) =	sbr.rel .LBB1_4-.Ltmp4, $1  }
0x3b: {  	_ =	sdelay $0x3  }
.LBB1_6:
0x3c: {  	_ =	sfence.sel $0x180000  }
0x3d: {  	s2 =	simm.s32 $0x1;
	[bflag:$0x0] =	sbarrier.arrive $0xFFFF  }
0x3e: {  	s31 =	simm.s32 $0x2;
	[sflag:s2] =	ssyncpa.u1 $0x1  }
0x3f: {  	[sflag:s31] =	ssyncpa.u1 $0x1  }
0x40: {  	p0 =	sne.s32 s0, $0x0;
	_ =	strace $0x9000004A  }
0x41: {  	s0 =	sadd.s32 @!p0 $0x100000, s1;
	[bflag:$0x2] =	sbarrier.arrive $0xFFFF  }
0x42: {  	[sflag:s0] =	ssyncadd.tile.s32 @!p0 $0x1;
	_ =	shalt  }
.Lfunc_end1:
_tile_overlayer_lowered:
.L_overlay_start_2:
0x43: {  	(tag) =	ssettag $0x2  }
0x44: {  	s0 =	rddreg [dreg:$0x0];
	s2 =	stileid.u32  }
0x45: {  	s1 =	rddreg [dreg:$0x1];
	p0 =	sne.s32 s2, $0x0  }
0x46: {  	s3 =	rddreg [dreg:$0x2];
	[bflag:$0x3] =	sbarrier.arrive $0xFFFF;
	s2 =	simm.s32 @!p0 $0x1C01  }
0x47: {  	[timem:s3], [sflag:s2] =	dma.local @!p0 [hbm:s0], s1  }
0x48: {  	s0 =	simm.s32 @!p0 $0x1  }
0x49: {  	_ =	swait.ge @!p0 [sflag:s0], s1  }
0x4a: {  	s1 =	ssub.s32 @!p0 $0x0, s1;
	[sflag:s0] =	ssyncset.done @!p0 $0x0  }
0x4b: {  	[sflag:s0] =	ssyncadd.s32 @!p0 s1  }
0x4c: {  	[bflag:$0x3] =	sbarrier.arrive $0xFFFF  }
0x4d: {  	_ =	shalt  }

</sc_bundles>
